<compile_context>
chip_gen: v7x
topology: tpu7x:2x2x1
jax: 0.10.2.dev20260603
libtpu: 0.0.44.dev20260713+nightly
codegen_flags: <defaults>
</compile_context>

<pallas_src>
import jax
import jax.numpy as jnp
from jax import lax
from jax.experimental import pallas as pl
from jax.experimental.pallas import tpu as pltpu
from jax.experimental.pallas import tpu_sc as plsc

IN_F = 16384
OUT_F = 16384
NNZ = 268435
BATCH = 64

NUM_CORES = 2
NUM_TILES = 16
NUM_WORKERS = NUM_CORES * NUM_TILES
ROWS_PER_W = BATCH // NUM_WORKERS

CH = 4096
NCH = (NNZ + 2 * CH - 1) // (2 * CH) * 2
NNZ_PAD = NCH * CH
VG = CH // 16
UNROLL = 8


def _sc_body(xpk_hbm, pk_hbm, w_hbm, bias_hbm, out_hbm,
             xpkb, acc0, acc1,
             pkb0, wb0, pkb1, wb1, sem0, sem1):
    c = lax.axis_index("c")
    s = lax.axis_index("s")
    w = s * NUM_CORES + c
    b0 = w * ROWS_PER_W

    pltpu.sync_copy(xpk_hbm.at[w], xpkb)
    pltpu.sync_copy(bias_hbm, acc0)
    pltpu.sync_copy(bias_hbm, acc1)

    bufs = ((pkb0, wb0, sem0), (pkb1, wb1, sem1))

    def _load(j, bset):
        pb, wb, sem = bset
        pltpu.async_copy(pk_hbm.at[pl.ds(j * CH, CH)], pb, sem)
        pltpu.async_copy(w_hbm.at[pl.ds(j * CH, CH)], wb, sem)

    def _wait(j, bset):
        pb, wb, sem = bset
        pltpu.make_async_copy(pk_hbm.at[pl.ds(j * CH, CH)], pb, sem).wait()
        pltpu.make_async_copy(w_hbm.at[pl.ds(j * CH, CH)], wb, sem).wait()

    _load(0, bufs[0])
    _load(1, bufs[1])

    def _process(bset):
        pb, wb, _ = bset

        def _vg(i, carry):
            base0 = i * (16 * UNROLL)
            pvs = [pb[pl.ds(base0 + g * 16, 16)] for g in range(UNROLL)]
            wss = [wb[pl.ds(base0 + g * 16, 16)] for g in range(UNROLL)]
            cvs = [pv & 0xFFFF for pv in pvs]
            rvs = [lax.shift_right_logical(pv, 16) for pv in pvs]
            gs = [plsc.load_gather(xpkb, [cv]) for cv in cvs]
            xs = [plsc.unpack(plsc.bitcast(g, jnp.bfloat16),
                              format=plsc.PackFormat.INTERLEAVED,
                              preferred_element_type=jnp.float32) for g in gs]
            for g in range(UNROLL):
                plsc.addupdate_scatter(acc0, [rvs[g]], xs[g][0] * wss[g])
            for g in range(UNROLL):
                plsc.addupdate_scatter(acc1, [rvs[g]], xs[g][1] * wss[g])
            return carry

        lax.fori_loop(0, VG // UNROLL, _vg, 0)

    def _pair(i, carry):
        for par in range(2):
            j = 2 * i + par
            _wait(j, bufs[par])
            _process(bufs[par])
            jn = jnp.minimum(j + 2, NCH - 1)
            _load(jn, bufs[par])
        return carry

    lax.fori_loop(0, NCH // 2, _pair, 0)
    _wait(NCH - 1, bufs[0])
    _wait(NCH - 1, bufs[1])

    pltpu.sync_copy(acc0, out_hbm.at[b0])
    pltpu.sync_copy(acc1, out_hbm.at[b0 + 1])


_sc_spmm = pl.kernel(
    _sc_body,
    out_type=jax.ShapeDtypeStruct((BATCH, OUT_F), jnp.float32),
    mesh=plsc.VectorSubcoreMesh(core_axis_name="c", subcore_axis_name="s"),
    compiler_params=pltpu.CompilerParams(
        use_tc_tiling_on_sc=False, needs_layout_passes=False),
    scratch_types=[
        pltpu.VMEM((IN_F,), jnp.int32),
        pltpu.VMEM((OUT_F,), jnp.float32),
        pltpu.VMEM((OUT_F,), jnp.float32),
        pltpu.VMEM((CH,), jnp.int32),
        pltpu.VMEM((CH,), jnp.float32),
        pltpu.VMEM((CH,), jnp.int32),
        pltpu.VMEM((CH,), jnp.float32),
        pltpu.SemaphoreType.DMA,
        pltpu.SemaphoreType.DMA,
    ],
)


@jax.jit
def kernel(inputs, weights, bias, indices):
    rows = indices[0]
    cols = indices[1]
    pad = NNZ_PAD - NNZ
    packed = jnp.pad((rows << 16) | cols, (0, pad))
    w_p = jnp.pad(weights, (0, pad))
    xlo = jax.lax.bitcast_convert_type(
        inputs[0::2].astype(jnp.bfloat16), jnp.uint16).astype(jnp.uint32)
    xhi = jax.lax.bitcast_convert_type(
        inputs[1::2].astype(jnp.bfloat16), jnp.uint16).astype(jnp.uint32)
    xpk = jax.lax.bitcast_convert_type(xlo | (xhi << 16), jnp.int32)
    return _sc_spmm(xpk, packed, w_p, bias)

# --- scband reference (transcript-rebuilt; emitter-appended) ---
"""Pipeline reference for scband-sparse-linear-6820408066325 (READ-ONLY COPY).

The authoritative reference and input builder live on the scoring server;
editing this copy changes nothing except your own understanding.
"""

import jax, jax.numpy as jnp
import numpy as np

IN_FEATURES = 16384
OUT_FEATURES = 16384
NNZ = 268435  # round((1 - 0.999) * 16384 * 16384)
BATCH = 64


def setup_inputs(seed: int = 0) -> dict:
    key = jax.random.key(seed)
    k1, k2, k3, k4, k5 = jax.random.split(key, 5)
    inputs = jax.random.normal(k1, (BATCH, IN_FEATURES), dtype=jnp.float32)
    # COO indices of the sparse weight matrix: indices[0]=row (out), indices[1]=col (in)
    row_ind = jax.random.randint(k2, (NNZ,), 0, OUT_FEATURES, dtype=jnp.int32)
    col_ind = jax.random.randint(k3, (NNZ,), 0, IN_FEATURES, dtype=jnp.int32)
    indices = jnp.stack([row_ind, col_ind], axis=0)
    bound = 1.0 / (IN_FEATURES ** 0.5)
    weights = jax.random.uniform(k4, (NNZ,), minval=-bound, maxval=bound, dtype=jnp.float32)
    bias = jax.random.uniform(k5, (OUT_FEATURES,), minval=-bound, maxval=bound, dtype=jnp.float32)
    return {"inputs": inputs, "weights": weights, "bias": bias, "indices": indices}


def reference(inputs, weights, bias, indices):
    # y = x A^T + b where A is sparse COO (out_features, in_features)
    # out[b, r] = sum_{nnz: row==r} x[b, col] * w  (+ bias[r])
    row = indices[0]
    col = indices[1]
    # gather input columns per nonzero, scale by weight values
    gathered = jnp.take(inputs, col, axis=1) * weights[None, :]  # [B, NNZ]
    # scatter-add into output rows (segment reduce over nnz)
    out = jax.ops.segment_sum(gathered.T, row, num_segments=OUT_FEATURES)  # [OUT, B]
    out = out.T + bias[None, :]
    return out

if __name__ == "__main__":
    import jax
    _d = setup_inputs()
    print(jax.jit(kernel)(*tuple(_d.values())))

</pallas_src>

<mosaic_0001>
#map = affine_map<(d0, d1) -> (0, 0)>
#map1 = affine_map<(d0, d1) -> (0)>
module attributes {stable_mosaic.version = 14 : i64} {
  func.func @_sc_body(%arg0: i32, %arg1: i32, %arg2: memref<32x16384xi32, #tpu.memory_space<hbm>>, %arg3: memref<270336xi32, #tpu.memory_space<hbm>>, %arg4: memref<270336xf32, #tpu.memory_space<hbm>>, %arg5: memref<16384xf32, #tpu.memory_space<hbm>>, %arg6: memref<64x16384xf32, #tpu.memory_space<hbm>>, %arg7: memref<16384xi32, #tpu.memory_space<vmem>>, %arg8: memref<16384xf32, #tpu.memory_space<vmem>>, %arg9: memref<16384xf32, #tpu.memory_space<vmem>>, %arg10: memref<4096xi32, #tpu.memory_space<vmem>>, %arg11: memref<4096xf32, #tpu.memory_space<vmem>>, %arg12: memref<4096xi32, #tpu.memory_space<vmem>>, %arg13: memref<4096xf32, #tpu.memory_space<vmem>>, %arg14: memref<!tpu.dma_semaphore, #tpu.memory_space<semaphore_mem>>, %arg15: memref<!tpu.dma_semaphore, #tpu.memory_space<semaphore_mem>>) attributes {dimension_semantics = [#tpu.dimension_semantics<core_parallel>, #tpu.dimension_semantics<subcore_parallel>], iteration_bounds = array<i64: 2, 16>, scalar_prefetch = 0 : i64, scratch_operands = 9 : i64, tpu.core_type = #tpu.core_type<sc_vector_subcore>, window_params = [{transform_indices = #map}, {transform_indices = #map1}, {transform_indices = #map1}, {transform_indices = #map1}, {transform_indices = #map}]} {
    %mul3A = arith.constant 2 : i32
    %mul3A_0 = arith.muli %arg1, %mul3A : i32
    %add3A = arith.addi %mul3A_0, %arg0 : i32
    %mul3A_1 = arith.constant 2 : i32
    %mul3A_2 = arith.muli %add3A, %mul3A_1 : i32
    "tpu.region"() ({
      %run_scoped3A = tpu.sem_alloc : memref<!tpu.dma_semaphore, #tpu.memory_space<semaphore_mem>>
      %dma_start3A_40 = arith.constant 0 : i32
      %dma_start3A_41 = tpu.memref_slice %arg2[%add3A, %dma_start3A_40] : memref<32x16384xi32, #tpu.memory_space<hbm>> -> memref<1x16384xi32, #tpu.memory_space<hbm>>
      %dma_start3A_42 = tpu.memref_squeeze %dma_start3A_41 : memref<1x16384xi32, #tpu.memory_space<hbm>> -> memref<16384xi32, #tpu.memory_space<hbm>>
      %dma_start3A_43 = arith.constant 0 : i32
      %dma_start3A_44 = tpu.memref_slice %arg2[%add3A, %dma_start3A_43] : memref<32x16384xi32, #tpu.memory_space<hbm>> -> memref<1x16384xi32, #tpu.memory_space<hbm>>
      %dma_start3A_45 = tpu.memref_squeeze %dma_start3A_44 : memref<1x16384xi32, #tpu.memory_space<hbm>> -> memref<16384xi32, #tpu.memory_space<hbm>>
      tpu.enqueue_dma source(%dma_start3A_45 : memref<16384xi32, #tpu.memory_space<hbm>>) target(%arg7 : memref<16384xi32, #tpu.memory_space<vmem>>) target_semaphore(%run_scoped3A : memref<!tpu.dma_semaphore, #tpu.memory_space<semaphore_mem>>)
      %dma_wait3A_46 = arith.constant 0 : i32
      %dma_wait3A_47 = tpu.memref_slice %arg2[%add3A, %dma_wait3A_46] : memref<32x16384xi32, #tpu.memory_space<hbm>> -> memref<1x16384xi32, #tpu.memory_space<hbm>>
      %dma_wait3A_48 = tpu.memref_squeeze %dma_wait3A_47 : memref<1x16384xi32, #tpu.memory_space<hbm>> -> memref<16384xi32, #tpu.memory_space<hbm>>
      %dma_wait3A_49 = arith.constant 0 : i32
      %dma_wait3A_50 = tpu.memref_slice %arg2[%add3A, %dma_wait3A_49] : memref<32x16384xi32, #tpu.memory_space<hbm>> -> memref<1x16384xi32, #tpu.memory_space<hbm>>
      %dma_wait3A_51 = tpu.memref_squeeze %dma_wait3A_50 : memref<1x16384xi32, #tpu.memory_space<hbm>> -> memref<16384xi32, #tpu.memory_space<hbm>>
      tpu.wait_dma2 semaphore(%run_scoped3A : memref<!tpu.dma_semaphore, #tpu.memory_space<semaphore_mem>>) src(%dma_wait3A_51 : memref<16384xi32, #tpu.memory_space<hbm>>) dst(%arg7 : memref<16384xi32, #tpu.memory_space<vmem>>)
      tpu.yield
    }) : () -> ()
    "tpu.region"() ({
      %run_scoped3A = tpu.sem_alloc : memref<!tpu.dma_semaphore, #tpu.memory_space<semaphore_mem>>
      tpu.enqueue_dma source(%arg5 : memref<16384xf32, #tpu.memory_space<hbm>>) target(%arg8 : memref<16384xf32, #tpu.memory_space<vmem>>) target_semaphore(%run_scoped3A : memref<!tpu.dma_semaphore, #tpu.memory_space<semaphore_mem>>)
      tpu.wait_dma2 semaphore(%run_scoped3A : memref<!tpu.dma_semaphore, #tpu.memory_space<semaphore_mem>>) src(%arg5 : memref<16384xf32, #tpu.memory_space<hbm>>) dst(%arg8 : memref<16384xf32, #tpu.memory_space<vmem>>)
      tpu.yield
    }) : () -> ()
    "tpu.region"() ({
      %run_scoped3A = tpu.sem_alloc : memref<!tpu.dma_semaphore, #tpu.memory_space<semaphore_mem>>
      tpu.enqueue_dma source(%arg5 : memref<16384xf32, #tpu.memory_space<hbm>>) target(%arg9 : memref<16384xf32, #tpu.memory_space<vmem>>) target_semaphore(%run_scoped3A : memref<!tpu.dma_semaphore, #tpu.memory_space<semaphore_mem>>)
      tpu.wait_dma2 semaphore(%run_scoped3A : memref<!tpu.dma_semaphore, #tpu.memory_space<semaphore_mem>>) src(%arg5 : memref<16384xf32, #tpu.memory_space<hbm>>) dst(%arg9 : memref<16384xf32, #tpu.memory_space<vmem>>)
      tpu.yield
    }) : () -> ()
    %dma_start3A = arith.constant 0 : i32
    %dma_start3A_3 = tpu.memref_slice %arg3[%dma_start3A] : memref<270336xi32, #tpu.memory_space<hbm>> -> memref<4096xi32, #tpu.memory_space<hbm>>
    %dma_start3A_4 = arith.constant 0 : i32
    %dma_start3A_5 = tpu.memref_slice %arg3[%dma_start3A_4] : memref<270336xi32, #tpu.memory_space<hbm>> -> memref<4096xi32, #tpu.memory_space<hbm>>
    tpu.enqueue_dma source(%dma_start3A_5 : memref<4096xi32, #tpu.memory_space<hbm>>) target(%arg10 : memref<4096xi32, #tpu.memory_space<vmem>>) target_semaphore(%arg14 : memref<!tpu.dma_semaphore, #tpu.memory_space<semaphore_mem>>)
    %dma_start3A_6 = arith.constant 0 : i32
    %dma_start3A_7 = tpu.memref_slice %arg4[%dma_start3A_6] : memref<270336xf32, #tpu.memory_space<hbm>> -> memref<4096xf32, #tpu.memory_space<hbm>>
    %dma_start3A_8 = arith.constant 0 : i32
    %dma_start3A_9 = tpu.memref_slice %arg4[%dma_start3A_8] : memref<270336xf32, #tpu.memory_space<hbm>> -> memref<4096xf32, #tpu.memory_space<hbm>>
    tpu.enqueue_dma source(%dma_start3A_9 : memref<4096xf32, #tpu.memory_space<hbm>>) target(%arg11 : memref<4096xf32, #tpu.memory_space<vmem>>) target_semaphore(%arg14 : memref<!tpu.dma_semaphore, #tpu.memory_space<semaphore_mem>>)
    %dma_start3A_10 = arith.constant 4096 : i32
    %dma_start3A_11 = tpu.memref_slice %arg3[%dma_start3A_10] : memref<270336xi32, #tpu.memory_space<hbm>> -> memref<4096xi32, #tpu.memory_space<hbm>>
    %dma_start3A_12 = arith.constant 4096 : i32
    %dma_start3A_13 = tpu.memref_slice %arg3[%dma_start3A_12] : memref<270336xi32, #tpu.memory_space<hbm>> -> memref<4096xi32, #tpu.memory_space<hbm>>
    tpu.enqueue_dma source(%dma_start3A_13 : memref<4096xi32, #tpu.memory_space<hbm>>) target(%arg12 : memref<4096xi32, #tpu.memory_space<vmem>>) target_semaphore(%arg15 : memref<!tpu.dma_semaphore, #tpu.memory_space<semaphore_mem>>)
    %dma_start3A_14 = arith.constant 4096 : i32
    %dma_start3A_15 = tpu.memref_slice %arg4[%dma_start3A_14] : memref<270336xf32, #tpu.memory_space<hbm>> -> memref<4096xf32, #tpu.memory_space<hbm>>
    %dma_start3A_16 = arith.constant 4096 : i32
    %dma_start3A_17 = tpu.memref_slice %arg4[%dma_start3A_16] : memref<270336xf32, #tpu.memory_space<hbm>> -> memref<4096xf32, #tpu.memory_space<hbm>>
    tpu.enqueue_dma source(%dma_start3A_17 : memref<4096xf32, #tpu.memory_space<hbm>>) target(%arg13 : memref<4096xf32, #tpu.memory_space<vmem>>) target_semaphore(%arg15 : memref<!tpu.dma_semaphore, #tpu.memory_space<semaphore_mem>>)
    %scan3A = arith.constant 0 : i32
    %scan3A_18 = arith.constant 0 : i32
    %scan3A_19 = arith.constant 33 : i32
    %scan3A_20 = arith.addi %scan3A_18, %scan3A_19 : i32
    %scan3A_21 = arith.constant 1 : i32
    scf.for %scan3A_40 = %scan3A_18 to %scan3A_20 step %scan3A_21  : i32 {
      %mul3A_41 = arith.constant 2 : i32
      %mul3A_42 = arith.muli %mul3A_41, %scan3A_40 : i32
      %add3A_43 = arith.constant 0 : i32
      %add3A_44 = arith.addi %mul3A_42, %add3A_43 : i32
      %mul3A_45 = arith.constant 4096 : i32
      %mul3A_46 = arith.muli %add3A_44, %mul3A_45 : i32
      %dma_wait3A_47 = tpu.memref_slice %arg3[%mul3A_46] : memref<270336xi32, #tpu.memory_space<hbm>> -> memref<4096xi32, #tpu.memory_space<hbm>>
      %dma_wait3A_48 = tpu.memref_slice %arg3[%mul3A_46] : memref<270336xi32, #tpu.memory_space<hbm>> -> memref<4096xi32, #tpu.memory_space<hbm>>
      tpu.wait_dma2 semaphore(%arg14 : memref<!tpu.dma_semaphore, #tpu.memory_space<semaphore_mem>>) src(%dma_wait3A_48 : memref<4096xi32, #tpu.memory_space<hbm>>) dst(%arg10 : memref<4096xi32, #tpu.memory_space<vmem>>)
      %mul3A_49 = arith.constant 4096 : i32
      %mul3A_50 = arith.muli %add3A_44, %mul3A_49 : i32
      %dma_wait3A_51 = tpu.memref_slice %arg4[%mul3A_50] : memref<270336xf32, #tpu.memory_space<hbm>> -> memref<4096xf32, #tpu.memory_space<hbm>>
      %dma_wait3A_52 = tpu.memref_slice %arg4[%mul3A_50] : memref<270336xf32, #tpu.memory_space<hbm>> -> memref<4096xf32, #tpu.memory_space<hbm>>
      tpu.wait_dma2 semaphore(%arg14 : memref<!tpu.dma_semaphore, #tpu.memory_space<semaphore_mem>>) src(%dma_wait3A_52 : memref<4096xf32, #tpu.memory_space<hbm>>) dst(%arg11 : memref<4096xf32, #tpu.memory_space<vmem>>)
      %scan3A_53 = arith.constant 0 : i32
      %scan3A_54 = arith.constant 0 : i32
      %scan3A_55 = arith.constant 32 : i32
      %scan3A_56 = arith.addi %scan3A_54, %scan3A_55 : i32
      %scan3A_57 = arith.constant 1 : i32
      scf.for %scan3A_100 = %scan3A_54 to %scan3A_56 step %scan3A_57  : i32 {
        %mul3A_101 = arith.constant 128 : i32
        %mul3A_102 = arith.muli %scan3A_100, %mul3A_101 : i32
        %add3A_103 = arith.constant 0 : i32
        %add3A_104 = arith.addi %mul3A_102, %add3A_103 : i32
        %get3A = arith.index_cast %add3A_104 : i32 to index
        %get3A_105 = tpu.vector_load %arg10[%get3A] {strides = array<i32>} : memref<4096xi32, #tpu.memory_space<vmem>>, vector<16xi32>,
        %add3A_106 = arith.constant 16 : i32
        %add3A_107 = arith.addi %mul3A_102, %add3A_106 : i32
        %get3A_108 = arith.index_cast %add3A_107 : i32 to index
        %get3A_109 = tpu.vector_load %arg10[%get3A_108] {strides = array<i32>} : memref<4096xi32, #tpu.memory_space<vmem>>, vector<16xi32>,
        %add3A_110 = arith.constant 32 : i32
        %add3A_111 = arith.addi %mul3A_102, %add3A_110 : i32
        %get3A_112 = arith.index_cast %add3A_111 : i32 to index
        %get3A_113 = tpu.vector_load %arg10[%get3A_112] {strides = array<i32>} : memref<4096xi32, #tpu.memory_space<vmem>>, vector<16xi32>,
        %add3A_114 = arith.constant 48 : i32
        %add3A_115 = arith.addi %mul3A_102, %add3A_114 : i32
        %get3A_116 = arith.index_cast %add3A_115 : i32 to index
        %get3A_117 = tpu.vector_load %arg10[%get3A_116] {strides = array<i32>} : memref<4096xi32, #tpu.memory_space<vmem>>, vector<16xi32>,
        %add3A_118 = arith.constant 64 : i32
        %add3A_119 = arith.addi %mul3A_102, %add3A_118 : i32
        %get3A_120 = arith.index_cast %add3A_119 : i32 to index
        %get3A_121 = tpu.vector_load %arg10[%get3A_120] {strides = array<i32>} : memref<4096xi32, #tpu.memory_space<vmem>>, vector<16xi32>,
        %add3A_122 = arith.constant 80 : i32
        %add3A_123 = arith.addi %mul3A_102, %add3A_122 : i32
        %get3A_124 = arith.index_cast %add3A_123 : i32 to index
        %get3A_125 = tpu.vector_load %arg10[%get3A_124] {strides = array<i32>} : memref<4096xi32, #tpu.memory_space<vmem>>, vector<16xi32>,
        %add3A_126 = arith.constant 96 : i32
        %add3A_127 = arith.addi %mul3A_102, %add3A_126 : i32
        %get3A_128 = arith.index_cast %add3A_127 : i32 to index
        %get3A_129 = tpu.vector_load %arg10[%get3A_128] {strides = array<i32>} : memref<4096xi32, #tpu.memory_space<vmem>>, vector<16xi32>,
        %add3A_130 = arith.constant 112 : i32
        %add3A_131 = arith.addi %mul3A_102, %add3A_130 : i32
        %get3A_132 = arith.index_cast %add3A_131 : i32 to index
        %get3A_133 = tpu.vector_load %arg10[%get3A_132] {strides = array<i32>} : memref<4096xi32, #tpu.memory_space<vmem>>, vector<16xi32>,
        %add3A_134 = arith.constant 0 : i32
        %add3A_135 = arith.addi %mul3A_102, %add3A_134 : i32
        %get3A_136 = arith.index_cast %add3A_135 : i32 to index
        %get3A_137 = tpu.vector_load %arg11[%get3A_136] {strides = array<i32>} : memref<4096xf32, #tpu.memory_space<vmem>>, vector<16xf32>,
        %add3A_138 = arith.constant 16 : i32
        %add3A_139 = arith.addi %mul3A_102, %add3A_138 : i32
        %get3A_140 = arith.index_cast %add3A_139 : i32 to index
        %get3A_141 = tpu.vector_load %arg11[%get3A_140] {strides = array<i32>} : memref<4096xf32, #tpu.memory_space<vmem>>, vector<16xf32>,
        %add3A_142 = arith.constant 32 : i32
        %add3A_143 = arith.addi %mul3A_102, %add3A_142 : i32
        %get3A_144 = arith.index_cast %add3A_143 : i32 to index
        %get3A_145 = tpu.vector_load %arg11[%get3A_144] {strides = array<i32>} : memref<4096xf32, #tpu.memory_space<vmem>>, vector<16xf32>,
        %add3A_146 = arith.constant 48 : i32
        %add3A_147 = arith.addi %mul3A_102, %add3A_146 : i32
        %get3A_148 = arith.index_cast %add3A_147 : i32 to index
        %get3A_149 = tpu.vector_load %arg11[%get3A_148] {strides = array<i32>} : memref<4096xf32, #tpu.memory_space<vmem>>, vector<16xf32>,
        %add3A_150 = arith.constant 64 : i32
        %add3A_151 = arith.addi %mul3A_102, %add3A_150 : i32
        %get3A_152 = arith.index_cast %add3A_151 : i32 to index
        %get3A_153 = tpu.vector_load %arg11[%get3A_152] {strides = array<i32>} : memref<4096xf32, #tpu.memory_space<vmem>>, vector<16xf32>,
        %add3A_154 = arith.constant 80 : i32
        %add3A_155 = arith.addi %mul3A_102, %add3A_154 : i32
        %get3A_156 = arith.index_cast %add3A_155 : i32 to index
        %get3A_157 = tpu.vector_load %arg11[%get3A_156] {strides = array<i32>} : memref<4096xf32, #tpu.memory_space<vmem>>, vector<16xf32>,
        %add3A_158 = arith.constant 96 : i32
        %add3A_159 = arith.addi %mul3A_102, %add3A_158 : i32
        %get3A_160 = arith.index_cast %add3A_159 : i32 to index
        %get3A_161 = tpu.vector_load %arg11[%get3A_160] {strides = array<i32>} : memref<4096xf32, #tpu.memory_space<vmem>>, vector<16xf32>,
        %add3A_162 = arith.constant 112 : i32
        %add3A_163 = arith.addi %mul3A_102, %add3A_162 : i32
        %get3A_164 = arith.index_cast %add3A_163 : i32 to index
        %get3A_165 = tpu.vector_load %arg11[%get3A_164] {strides = array<i32>} : memref<4096xf32, #tpu.memory_space<vmem>>, vector<16xf32>,
        %and3A = arith.constant 65535 : i32
        %and3A_166 = vector.broadcast %and3A : i32 to vector<16xi32>
        %and3A_167 = arith.andi %get3A_105, %and3A_166 : vector<16xi32>
        %and3A_168 = arith.constant 65535 : i32
        %and3A_169 = vector.broadcast %and3A_168 : i32 to vector<16xi32>
        %and3A_170 = arith.andi %get3A_109, %and3A_169 : vector<16xi32>
        %and3A_171 = arith.constant 65535 : i32
        %and3A_172 = vector.broadcast %and3A_171 : i32 to vector<16xi32>
        %and3A_173 = arith.andi %get3A_113, %and3A_172 : vector<16xi32>
        %and3A_174 = arith.constant 65535 : i32
        %and3A_175 = vector.broadcast %and3A_174 : i32 to vector<16xi32>
        %and3A_176 = arith.andi %get3A_117, %and3A_175 : vector<16xi32>
        %and3A_177 = arith.constant 65535 : i32
        %and3A_178 = vector.broadcast %and3A_177 : i32 to vector<16xi32>
        %and3A_179 = arith.andi %get3A_121, %and3A_178 : vector<16xi32>
        %and3A_180 = arith.constant 65535 : i32
        %and3A_181 = vector.broadcast %and3A_180 : i32 to vector<16xi32>
        %and3A_182 = arith.andi %get3A_125, %and3A_181 : vector<16xi32>
        %and3A_183 = arith.constant 65535 : i32
        %and3A_184 = vector.broadcast %and3A_183 : i32 to vector<16xi32>
        %and3A_185 = arith.andi %get3A_129, %and3A_184 : vector<16xi32>
        %and3A_186 = arith.constant 65535 : i32
        %and3A_187 = vector.broadcast %and3A_186 : i32 to vector<16xi32>
        %and3A_188 = arith.andi %get3A_133, %and3A_187 : vector<16xi32>
        %shift_right_logical3A = arith.constant 16 : i32
        %shift_right_logical3A_189 = vector.broadcast %shift_right_logical3A : i32 to vector<16xi32>
        %shift_right_logical3A_190 = arith.shrui %get3A_105, %shift_right_logical3A_189 : vector<16xi32>
        %shift_right_logical3A_191 = arith.constant 16 : i32
        %shift_right_logical3A_192 = vector.broadcast %shift_right_logical3A_191 : i32 to vector<16xi32>
        %shift_right_logical3A_193 = arith.shrui %get3A_109, %shift_right_logical3A_192 : vector<16xi32>
        %shift_right_logical3A_194 = arith.constant 16 : i32
        %shift_right_logical3A_195 = vector.broadcast %shift_right_logical3A_194 : i32 to vector<16xi32>
        %shift_right_logical3A_196 = arith.shrui %get3A_113, %shift_right_logical3A_195 : vector<16xi32>
        %shift_right_logical3A_197 = arith.constant 16 : i32
        %shift_right_logical3A_198 = vector.broadcast %shift_right_logical3A_197 : i32 to vector<16xi32>
        %shift_right_logical3A_199 = arith.shrui %get3A_117, %shift_right_logical3A_198 : vector<16xi32>
        %shift_right_logical3A_200 = arith.constant 16 : i32
        %shift_right_logical3A_201 = vector.broadcast %shift_right_logical3A_200 : i32 to vector<16xi32>
        %shift_right_logical3A_202 = arith.shrui %get3A_121, %shift_right_logical3A_201 : vector<16xi32>
        %shift_right_logical3A_203 = arith.constant 16 : i32
        %shift_right_logical3A_204 = vector.broadcast %shift_right_logical3A_203 : i32 to vector<16xi32>
        %shift_right_logical3A_205 = arith.shrui %get3A_125, %shift_right_logical3A_204 : vector<16xi32>
        %shift_right_logical3A_206 = arith.constant 16 : i32
        %shift_right_logical3A_207 = vector.broadcast %shift_right_logical3A_206 : i32 to vector<16xi32>
        %shift_right_logical3A_208 = arith.shrui %get3A_129, %shift_right_logical3A_207 : vector<16xi32>
        %shift_right_logical3A_209 = arith.constant 16 : i32
        %shift_right_logical3A_210 = vector.broadcast %shift_right_logical3A_209 : i32 to vector<16xi32>
        %shift_right_logical3A_211 = arith.shrui %get3A_133, %shift_right_logical3A_210 : vector<16xi32>
        %gather3A = tpu.vector_load_idx %arg7[%and3A_167] : memref<16384xi32, #tpu.memory_space<vmem>>[vector<16xi32>], vector<16xi32>,
        %gather3A_212 = tpu.vector_load_idx %arg7[%and3A_170] : memref<16384xi32, #tpu.memory_space<vmem>>[vector<16xi32>], vector<16xi32>,
        %gather3A_213 = tpu.vector_load_idx %arg7[%and3A_173] : memref<16384xi32, #tpu.memory_space<vmem>>[vector<16xi32>], vector<16xi32>,
        %gather3A_214 = tpu.vector_load_idx %arg7[%and3A_176] : memref<16384xi32, #tpu.memory_space<vmem>>[vector<16xi32>], vector<16xi32>,
        %gather3A_215 = tpu.vector_load_idx %arg7[%and3A_179] : memref<16384xi32, #tpu.memory_space<vmem>>[vector<16xi32>], vector<16xi32>,
        %gather3A_216 = tpu.vector_load_idx %arg7[%and3A_182] : memref<16384xi32, #tpu.memory_space<vmem>>[vector<16xi32>], vector<16xi32>,
        %gather3A_217 = tpu.vector_load_idx %arg7[%and3A_185] : memref<16384xi32, #tpu.memory_space<vmem>>[vector<16xi32>], vector<16xi32>,
        %gather3A_218 = tpu.vector_load_idx %arg7[%and3A_188] : memref<16384xi32, #tpu.memory_space<vmem>>[vector<16xi32>], vector<16xi32>,
        %bitcast3A = vector.bitcast %gather3A : vector<16xi32> to vector<32xbf16>
        %unpack3A = tpu.unpack_subelements %bitcast3A, 0 {pack_format = #tpu.pack_format<interleaved>} : vector<32xbf16> -> vector<16xf32>
        %unpack3A_219 = tpu.unpack_subelements %bitcast3A, 1 {pack_format = #tpu.pack_format<interleaved>} : vector<32xbf16> -> vector<16xf32>
        %bitcast3A_220 = vector.bitcast %gather3A_212 : vector<16xi32> to vector<32xbf16>
        %unpack3A_221 = tpu.unpack_subelements %bitcast3A_220, 0 {pack_format = #tpu.pack_format<interleaved>} : vector<32xbf16> -> vector<16xf32>
        %unpack3A_222 = tpu.unpack_subelements %bitcast3A_220, 1 {pack_format = #tpu.pack_format<interleaved>} : vector<32xbf16> -> vector<16xf32>
        %bitcast3A_223 = vector.bitcast %gather3A_213 : vector<16xi32> to vector<32xbf16>
        %unpack3A_224 = tpu.unpack_subelements %bitcast3A_223, 0 {pack_format = #tpu.pack_format<interleaved>} : vector<32xbf16> -> vector<16xf32>
        %unpack3A_225 = tpu.unpack_subelements %bitcast3A_223, 1 {pack_format = #tpu.pack_format<interleaved>} : vector<32xbf16> -> vector<16xf32>
        %bitcast3A_226 = vector.bitcast %gather3A_214 : vector<16xi32> to vector<32xbf16>
        %unpack3A_227 = tpu.unpack_subelements %bitcast3A_226, 0 {pack_format = #tpu.pack_format<interleaved>} : vector<32xbf16> -> vector<16xf32>
        %unpack3A_228 = tpu.unpack_subelements %bitcast3A_226, 1 {pack_format = #tpu.pack_format<interleaved>} : vector<32xbf16> -> vector<16xf32>
        %bitcast3A_229 = vector.bitcast %gather3A_215 : vector<16xi32> to vector<32xbf16>
        %unpack3A_230 = tpu.unpack_subelements %bitcast3A_229, 0 {pack_format = #tpu.pack_format<interleaved>} : vector<32xbf16> -> vector<16xf32>
        %unpack3A_231 = tpu.unpack_subelements %bitcast3A_229, 1 {pack_format = #tpu.pack_format<interleaved>} : vector<32xbf16> -> vector<16xf32>
        %bitcast3A_232 = vector.bitcast %gather3A_216 : vector<16xi32> to vector<32xbf16>
        %unpack3A_233 = tpu.unpack_subelements %bitcast3A_232, 0 {pack_format = #tpu.pack_format<interleaved>} : vector<32xbf16> -> vector<16xf32>
        %unpack3A_234 = tpu.unpack_subelements %bitcast3A_232, 1 {pack_format = #tpu.pack_format<interleaved>} : vector<32xbf16> -> vector<16xf32>
        %bitcast3A_235 = vector.bitcast %gather3A_217 : vector<16xi32> to vector<32xbf16>
        %unpack3A_236 = tpu.unpack_subelements %bitcast3A_235, 0 {pack_format = #tpu.pack_format<interleaved>} : vector<32xbf16> -> vector<16xf32>
        %unpack3A_237 = tpu.unpack_subelements %bitcast3A_235, 1 {pack_format = #tpu.pack_format<interleaved>} : vector<32xbf16> -> vector<16xf32>
        %bitcast3A_238 = vector.bitcast %gather3A_218 : vector<16xi32> to vector<32xbf16>
        %unpack3A_239 = tpu.unpack_subelements %bitcast3A_238, 0 {pack_format = #tpu.pack_format<interleaved>} : vector<32xbf16> -> vector<16xf32>
        %unpack3A_240 = tpu.unpack_subelements %bitcast3A_238, 1 {pack_format = #tpu.pack_format<interleaved>} : vector<32xbf16> -> vector<16xf32>
        %mul3A_241 = arith.mulf %unpack3A, %get3A_137 : vector<16xf32>
        tpu.vector_store_idx %arg8[%shift_right_logical3A_190], %mul3A_241 {add = true} : memref<16384xf32, #tpu.memory_space<vmem>>[vector<16xi32>], vector<16xf32>,
        %mul3A_242 = arith.mulf %unpack3A_221, %get3A_141 : vector<16xf32>
        tpu.vector_store_idx %arg8[%shift_right_logical3A_193], %mul3A_242 {add = true} : memref<16384xf32, #tpu.memory_space<vmem>>[vector<16xi32>], vector<16xf32>,
        %mul3A_243 = arith.mulf %unpack3A_224, %get3A_145 : vector<16xf32>
        tpu.vector_store_idx %arg8[%shift_right_logical3A_196], %mul3A_243 {add = true} : memref<16384xf32, #tpu.memory_space<vmem>>[vector<16xi32>], vector<16xf32>,
        %mul3A_244 = arith.mulf %unpack3A_227, %get3A_149 : vector<16xf32>
        tpu.vector_store_idx %arg8[%shift_right_logical3A_199], %mul3A_244 {add = true} : memref<16384xf32, #tpu.memory_space<vmem>>[vector<16xi32>], vector<16xf32>,
        %mul3A_245 = arith.mulf %unpack3A_230, %get3A_153 : vector<16xf32>
        tpu.vector_store_idx %arg8[%shift_right_logical3A_202], %mul3A_245 {add = true} : memref<16384xf32, #tpu.memory_space<vmem>>[vector<16xi32>], vector<16xf32>,
        %mul3A_246 = arith.mulf %unpack3A_233, %get3A_157 : vector<16xf32>
        tpu.vector_store_idx %arg8[%shift_right_logical3A_205], %mul3A_246 {add = true} : memref<16384xf32, #tpu.memory_space<vmem>>[vector<16xi32>], vector<16xf32>,
        %mul3A_247 = arith.mulf %unpack3A_236, %get3A_161 : vector<16xf32>
        tpu.vector_store_idx %arg8[%shift_right_logical3A_208], %mul3A_247 {add = true} : memref<16384xf32, #tpu.memory_space<vmem>>[vector<16xi32>], vector<16xf32>,
        %mul3A_248 = arith.mulf %unpack3A_239, %get3A_165 : vector<16xf32>
        tpu.vector_store_idx %arg8[%shift_right_logical3A_211], %mul3A_248 {add = true} : memref<16384xf32, #tpu.memory_space<vmem>>[vector<16xi32>], vector<16xf32>,
        %mul3A_249 = arith.mulf %unpack3A_219, %get3A_137 : vector<16xf32>
        tpu.vector_store_idx %arg9[%shift_right_logical3A_190], %mul3A_249 {add = true} : memref<16384xf32, #tpu.memory_space<vmem>>[vector<16xi32>], vector<16xf32>,
        %mul3A_250 = arith.mulf %unpack3A_222, %get3A_141 : vector<16xf32>
        tpu.vector_store_idx %arg9[%shift_right_logical3A_193], %mul3A_250 {add = true} : memref<16384xf32, #tpu.memory_space<vmem>>[vector<16xi32>], vector<16xf32>,
        %mul3A_251 = arith.mulf %unpack3A_225, %get3A_145 : vector<16xf32>
        tpu.vector_store_idx %arg9[%shift_right_logical3A_196], %mul3A_251 {add = true} : memref<16384xf32, #tpu.memory_space<vmem>>[vector<16xi32>], vector<16xf32>,
        %mul3A_252 = arith.mulf %unpack3A_228, %get3A_149 : vector<16xf32>
        tpu.vector_store_idx %arg9[%shift_right_logical3A_199], %mul3A_252 {add = true} : memref<16384xf32, #tpu.memory_space<vmem>>[vector<16xi32>], vector<16xf32>,
        %mul3A_253 = arith.mulf %unpack3A_231, %get3A_153 : vector<16xf32>
        tpu.vector_store_idx %arg9[%shift_right_logical3A_202], %mul3A_253 {add = true} : memref<16384xf32, #tpu.memory_space<vmem>>[vector<16xi32>], vector<16xf32>,
        %mul3A_254 = arith.mulf %unpack3A_234, %get3A_157 : vector<16xf32>
        tpu.vector_store_idx %arg9[%shift_right_logical3A_205], %mul3A_254 {add = true} : memref<16384xf32, #tpu.memory_space<vmem>>[vector<16xi32>], vector<16xf32>,
        %mul3A_255 = arith.mulf %unpack3A_237, %get3A_161 : vector<16xf32>
        tpu.vector_store_idx %arg9[%shift_right_logical3A_208], %mul3A_255 {add = true} : memref<16384xf32, #tpu.memory_space<vmem>>[vector<16xi32>], vector<16xf32>,
        %mul3A_256 = arith.mulf %unpack3A_240, %get3A_165 : vector<16xf32>
        tpu.vector_store_idx %arg9[%shift_right_logical3A_211], %mul3A_256 {add = true} : memref<16384xf32, #tpu.memory_space<vmem>>[vector<16xi32>], vector<16xf32>,
      }
      %scan3A_58 = arith.constant 32 : i32
      %add3A_59 = arith.constant 2 : i32
      %add3A_60 = arith.addi %add3A_44, %add3A_59 : i32
      %min3A = arith.constant 65 : i32
      %min3A_61 = arith.minsi %add3A_60, %min3A : i32
      %mul3A_62 = arith.constant 4096 : i32
      %mul3A_63 = arith.muli %min3A_61, %mul3A_62 : i32
      %dma_start3A_64 = tpu.memref_slice %arg3[%mul3A_63] : memref<270336xi32, #tpu.memory_space<hbm>> -> memref<4096xi32, #tpu.memory_space<hbm>>
      %dma_start3A_65 = tpu.memref_slice %arg3[%mul3A_63] : memref<270336xi32, #tpu.memory_space<hbm>> -> memref<4096xi32, #tpu.memory_space<hbm>>
      tpu.enqueue_dma source(%dma_start3A_65 : memref<4096xi32, #tpu.memory_space<hbm>>) target(%arg10 : memref<4096xi32, #tpu.memory_space<vmem>>) target_semaphore(%arg14 : memref<!tpu.dma_semaphore, #tpu.memory_space<semaphore_mem>>)
      %mul3A_66 = arith.constant 4096 : i32
      %mul3A_67 = arith.muli %min3A_61, %mul3A_66 : i32
      %dma_start3A_68 = tpu.memref_slice %arg4[%mul3A_67] : memref<270336xf32, #tpu.memory_space<hbm>> -> memref<4096xf32, #tpu.memory_space<hbm>>
      %dma_start3A_69 = tpu.memref_slice %arg4[%mul3A_67] : memref<270336xf32, #tpu.memory_space<hbm>> -> memref<4096xf32, #tpu.memory_space<hbm>>
      tpu.enqueue_dma source(%dma_start3A_69 : memref<4096xf32, #tpu.memory_space<hbm>>) target(%arg11 : memref<4096xf32, #tpu.memory_space<vmem>>) target_semaphore(%arg14 : memref<!tpu.dma_semaphore, #tpu.memory_space<semaphore_mem>>)
      %mul3A_70 = arith.constant 2 : i32
      %mul3A_71 = arith.muli %mul3A_70, %scan3A_40 : i32
      %add3A_72 = arith.constant 1 : i32
      %add3A_73 = arith.addi %mul3A_71, %add3A_72 : i32
      %mul3A_74 = arith.constant 4096 : i32
      %mul3A_75 = arith.muli %add3A_73, %mul3A_74 : i32
      %dma_wait3A_76 = tpu.memref_slice %arg3[%mul3A_75] : memref<270336xi32, #tpu.memory_space<hbm>> -> memref<4096xi32, #tpu.memory_space<hbm>>
      %dma_wait3A_77 = tpu.memref_slice %arg3[%mul3A_75] : memref<270336xi32, #tpu.memory_space<hbm>> -> memref<4096xi32, #tpu.memory_space<hbm>>
      tpu.wait_dma2 semaphore(%arg15 : memref<!tpu.dma_semaphore, #tpu.memory_space<semaphore_mem>>) src(%dma_wait3A_77 : memref<4096xi32, #tpu.memory_space<hbm>>) dst(%arg12 : memref<4096xi32, #tpu.memory_space<vmem>>)
      %mul3A_78 = arith.constant 4096 : i32
      %mul3A_79 = arith.muli %add3A_73, %mul3A_78 : i32
      %dma_wait3A_80 = tpu.memref_slice %arg4[%mul3A_79] : memref<270336xf32, #tpu.memory_space<hbm>> -> memref<4096xf32, #tpu.memory_space<hbm>>
      %dma_wait3A_81 = tpu.memref_slice %arg4[%mul3A_79] : memref<270336xf32, #tpu.memory_space<hbm>> -> memref<4096xf32, #tpu.memory_space<hbm>>
      tpu.wait_dma2 semaphore(%arg15 : memref<!tpu.dma_semaphore, #tpu.memory_space<semaphore_mem>>) src(%dma_wait3A_81 : memref<4096xf32, #tpu.memory_space<hbm>>) dst(%arg13 : memref<4096xf32, #tpu.memory_space<vmem>>)
      %scan3A_82 = arith.constant 0 : i32
      %scan3A_83 = arith.constant 0 : i32
      %scan3A_84 = arith.constant 32 : i32
      %scan3A_85 = arith.addi %scan3A_83, %scan3A_84 : i32
      %scan3A_86 = arith.constant 1 : i32
      scf.for %scan3A_100 = %scan3A_83 to %scan3A_85 step %scan3A_86  : i32 {
        %mul3A_101 = arith.constant 128 : i32
        %mul3A_102 = arith.muli %scan3A_100, %mul3A_101 : i32
        %add3A_103 = arith.constant 0 : i32
        %add3A_104 = arith.addi %mul3A_102, %add3A_103 : i32
        %get3A = arith.index_cast %add3A_104 : i32 to index
        %get3A_105 = tpu.vector_load %arg12[%get3A] {strides = array<i32>} : memref<4096xi32, #tpu.memory_space<vmem>>, vector<16xi32>,
        %add3A_106 = arith.constant 16 : i32
        %add3A_107 = arith.addi %mul3A_102, %add3A_106 : i32
        %get3A_108 = arith.index_cast %add3A_107 : i32 to index
        %get3A_109 = tpu.vector_load %arg12[%get3A_108] {strides = array<i32>} : memref<4096xi32, #tpu.memory_space<vmem>>, vector<16xi32>,
        %add3A_110 = arith.constant 32 : i32
        %add3A_111 = arith.addi %mul3A_102, %add3A_110 : i32
        %get3A_112 = arith.index_cast %add3A_111 : i32 to index
        %get3A_113 = tpu.vector_load %arg12[%get3A_112] {strides = array<i32>} : memref<4096xi32, #tpu.memory_space<vmem>>, vector<16xi32>,
        %add3A_114 = arith.constant 48 : i32
        %add3A_115 = arith.addi %mul3A_102, %add3A_114 : i32
        %get3A_116 = arith.index_cast %add3A_115 : i32 to index
        %get3A_117 = tpu.vector_load %arg12[%get3A_116] {strides = array<i32>} : memref<4096xi32, #tpu.memory_space<vmem>>, vector<16xi32>,
        %add3A_118 = arith.constant 64 : i32
        %add3A_119 = arith.addi %mul3A_102, %add3A_118 : i32
        %get3A_120 = arith.index_cast %add3A_119 : i32 to index
        %get3A_121 = tpu.vector_load %arg12[%get3A_120] {strides = array<i32>} : memref<4096xi32, #tpu.memory_space<vmem>>, vector<16xi32>,
        %add3A_122 = arith.constant 80 : i32
        %add3A_123 = arith.addi %mul3A_102, %add3A_122 : i32
        %get3A_124 = arith.index_cast %add3A_123 : i32 to index
        %get3A_125 = tpu.vector_load %arg12[%get3A_124] {strides = array<i32>} : memref<4096xi32, #tpu.memory_space<vmem>>, vector<16xi32>,
        %add3A_126 = arith.constant 96 : i32
        %add3A_127 = arith.addi %mul3A_102, %add3A_126 : i32
        %get3A_128 = arith.index_cast %add3A_127 : i32 to index
        %get3A_129 = tpu.vector_load %arg12[%get3A_128] {strides = array<i32>} : memref<4096xi32, #tpu.memory_space<vmem>>, vector<16xi32>,
        %add3A_130 = arith.constant 112 : i32
        %add3A_131 = arith.addi %mul3A_102, %add3A_130 : i32
        %get3A_132 = arith.index_cast %add3A_131 : i32 to index
        %get3A_133 = tpu.vector_load %arg12[%get3A_132] {strides = array<i32>} : memref<4096xi32, #tpu.memory_space<vmem>>, vector<16xi32>,
        %add3A_134 = arith.constant 0 : i32
        %add3A_135 = arith.addi %mul3A_102, %add3A_134 : i32
        %get3A_136 = arith.index_cast %add3A_135 : i32 to index
        %get3A_137 = tpu.vector_load %arg13[%get3A_136] {strides = array<i32>} : memref<4096xf32, #tpu.memory_space<vmem>>, vector<16xf32>,
        %add3A_138 = arith.constant 16 : i32
        %add3A_139 = arith.addi %mul3A_102, %add3A_138 : i32
        %get3A_140 = arith.index_cast %add3A_139 : i32 to index
        %get3A_141 = tpu.vector_load %arg13[%get3A_140] {strides = array<i32>} : memref<4096xf32, #tpu.memory_space<vmem>>, vector<16xf32>,
        %add3A_142 = arith.constant 32 : i32
        %add3A_143 = arith.addi %mul3A_102, %add3A_142 : i32
        %get3A_144 = arith.index_cast %add3A_143 : i32 to index
        %get3A_145 = tpu.vector_load %arg13[%get3A_144] {strides = array<i32>} : memref<4096xf32, #tpu.memory_space<vmem>>, vector<16xf32>,
        %add3A_146 = arith.constant 48 : i32
        %add3A_147 = arith.addi %mul3A_102, %add3A_146 : i32
        %get3A_148 = arith.index_cast %add3A_147 : i32 to index
        %get3A_149 = tpu.vector_load %arg13[%get3A_148] {strides = array<i32>} : memref<4096xf32, #tpu.memory_space<vmem>>, vector<16xf32>,
        %add3A_150 = arith.constant 64 : i32
        %add3A_151 = arith.addi %mul3A_102, %add3A_150 : i32
        %get3A_152 = arith.index_cast %add3A_151 : i32 to index
        %get3A_153 = tpu.vector_load %arg13[%get3A_152] {strides = array<i32>} : memref<4096xf32, #tpu.memory_space<vmem>>, vector<16xf32>,
        %add3A_154 = arith.constant 80 : i32
        %add3A_155 = arith.addi %mul3A_102, %add3A_154 : i32
        %get3A_156 = arith.index_cast %add3A_155 : i32 to index
        %get3A_157 = tpu.vector_load %arg13[%get3A_156] {strides = array<i32>} : memref<4096xf32, #tpu.memory_space<vmem>>, vector<16xf32>,
        %add3A_158 = arith.constant 96 : i32
        %add3A_159 = arith.addi %mul3A_102, %add3A_158 : i32
        %get3A_160 = arith.index_cast %add3A_159 : i32 to index
        %get3A_161 = tpu.vector_load %arg13[%get3A_160] {strides = array<i32>} : memref<4096xf32, #tpu.memory_space<vmem>>, vector<16xf32>,
        %add3A_162 = arith.constant 112 : i32
        %add3A_163 = arith.addi %mul3A_102, %add3A_162 : i32
        %get3A_164 = arith.index_cast %add3A_163 : i32 to index
        %get3A_165 = tpu.vector_load %arg13[%get3A_164] {strides = array<i32>} : memref<4096xf32, #tpu.memory_space<vmem>>, vector<16xf32>,
        %and3A = arith.constant 65535 : i32
        %and3A_166 = vector.broadcast %and3A : i32 to vector<16xi32>
        %and3A_167 = arith.andi %get3A_105, %and3A_166 : vector<16xi32>
        %and3A_168 = arith.constant 65535 : i32
        %and3A_169 = vector.broadcast %and3A_168 : i32 to vector<16xi32>
        %and3A_170 = arith.andi %get3A_109, %and3A_169 : vector<16xi32>
        %and3A_171 = arith.constant 65535 : i32
        %and3A_172 = vector.broadcast %and3A_171 : i32 to vector<16xi32>
        %and3A_173 = arith.andi %get3A_113, %and3A_172 : vector<16xi32>
        %and3A_174 = arith.constant 65535 : i32
        %and3A_175 = vector.broadcast %and3A_174 : i32 to vector<16xi32>
        %and3A_176 = arith.andi %get3A_117, %and3A_175 : vector<16xi32>
        %and3A_177 = arith.constant 65535 : i32
        %and3A_178 = vector.broadcast %and3A_177 : i32 to vector<16xi32>
        %and3A_179 = arith.andi %get3A_121, %and3A_178 : vector<16xi32>
        %and3A_180 = arith.constant 65535 : i32
        %and3A_181 = vector.broadcast %and3A_180 : i32 to vector<16xi32>
        %and3A_182 = arith.andi %get3A_125, %and3A_181 : vector<16xi32>
        %and3A_183 = arith.constant 65535 : i32
        %and3A_184 = vector.broadcast %and3A_183 : i32 to vector<16xi32>
        %and3A_185 = arith.andi %get3A_129, %and3A_184 : vector<16xi32>
        %and3A_186 = arith.constant 65535 : i32
        %and3A_187 = vector.broadcast %and3A_186 : i32 to vector<16xi32>
        %and3A_188 = arith.andi %get3A_133, %and3A_187 : vector<16xi32>
        %shift_right_logical3A = arith.constant 16 : i32
        %shift_right_logical3A_189 = vector.broadcast %shift_right_logical3A : i32 to vector<16xi32>
        %shift_right_logical3A_190 = arith.shrui %get3A_105, %shift_right_logical3A_189 : vector<16xi32>
        %shift_right_logical3A_191 = arith.constant 16 : i32
        %shift_right_logical3A_192 = vector.broadcast %shift_right_logical3A_191 : i32 to vector<16xi32>
        %shift_right_logical3A_193 = arith.shrui %get3A_109, %shift_right_logical3A_192 : vector<16xi32>
        %shift_right_logical3A_194 = arith.constant 16 : i32
        %shift_right_logical3A_195 = vector.broadcast %shift_right_logical3A_194 : i32 to vector<16xi32>
        %shift_right_logical3A_196 = arith.shrui %get3A_113, %shift_right_logical3A_195 : vector<16xi32>
        %shift_right_logical3A_197 = arith.constant 16 : i32
        %shift_right_logical3A_198 = vector.broadcast %shift_right_logical3A_197 : i32 to vector<16xi32>
        %shift_right_logical3A_199 = arith.shrui %get3A_117, %shift_right_logical3A_198 : vector<16xi32>
        %shift_right_logical3A_200 = arith.constant 16 : i32
        %shift_right_logical3A_201 = vector.broadcast %shift_right_logical3A_200 : i32 to vector<16xi32>
        %shift_right_logical3A_202 = arith.shrui %get3A_121, %shift_right_logical3A_201 : vector<16xi32>
        %shift_right_logical3A_203 = arith.constant 16 : i32
        %shift_right_logical3A_204 = vector.broadcast %shift_right_logical3A_203 : i32 to vector<16xi32>
        %shift_right_logical3A_205 = arith.shrui %get3A_125, %shift_right_logical3A_204 : vector<16xi32>
        %shift_right_logical3A_206 = arith.constant 16 : i32
        %shift_right_logical3A_207 = vector.broadcast %shift_right_logical3A_206 : i32 to vector<16xi32>
        %shift_right_logical3A_208 = arith.shrui %get3A_129, %shift_right_logical3A_207 : vector<16xi32>
        %shift_right_logical3A_209 = arith.constant 16 : i32
        %shift_right_logical3A_210 = vector.broadcast %shift_right_logical3A_209 : i32 to vector<16xi32>
        %shift_right_logical3A_211 = arith.shrui %get3A_133, %shift_right_logical3A_210 : vector<16xi32>
        %gather3A = tpu.vector_load_idx %arg7[%and3A_167] : memref<16384xi32, #tpu.memory_space<vmem>>[vector<16xi32>], vector<16xi32>,
        %gather3A_212 = tpu.vector_load_idx %arg7[%and3A_170] : memref<16384xi32, #tpu.memory_space<vmem>>[vector<16xi32>], vector<16xi32>,
        %gather3A_213 = tpu.vector_load_idx %arg7[%and3A_173] : memref<16384xi32, #tpu.memory_space<vmem>>[vector<16xi32>], vector<16xi32>,
        %gather3A_214 = tpu.vector_load_idx %arg7[%and3A_176] : memref<16384xi32, #tpu.memory_space<vmem>>[vector<16xi32>], vector<16xi32>,
        %gather3A_215 = tpu.vector_load_idx %arg7[%and3A_179] : memref<16384xi32, #tpu.memory_space<vmem>>[vector<16xi32>], vector<16xi32>,
        %gather3A_216 = tpu.vector_load_idx %arg7[%and3A_182] : memref<16384xi32, #tpu.memory_space<vmem>>[vector<16xi32>], vector<16xi32>,
        %gather3A_217 = tpu.vector_load_idx %arg7[%and3A_185] : memref<16384xi32, #tpu.memory_space<vmem>>[vector<16xi32>], vector<16xi32>,
        %gather3A_218 = tpu.vector_load_idx %arg7[%and3A_188] : memref<16384xi32, #tpu.memory_space<vmem>>[vector<16xi32>], vector<16xi32>,
        %bitcast3A = vector.bitcast %gather3A : vector<16xi32> to vector<32xbf16>
        %unpack3A = tpu.unpack_subelements %bitcast3A, 0 {pack_format = #tpu.pack_format<interleaved>} : vector<32xbf16> -> vector<16xf32>
        %unpack3A_219 = tpu.unpack_subelements %bitcast3A, 1 {pack_format = #tpu.pack_format<interleaved>} : vector<32xbf16> -> vector<16xf32>
        %bitcast3A_220 = vector.bitcast %gather3A_212 : vector<16xi32> to vector<32xbf16>
        %unpack3A_221 = tpu.unpack_subelements %bitcast3A_220, 0 {pack_format = #tpu.pack_format<interleaved>} : vector<32xbf16> -> vector<16xf32>
        %unpack3A_222 = tpu.unpack_subelements %bitcast3A_220, 1 {pack_format = #tpu.pack_format<interleaved>} : vector<32xbf16> -> vector<16xf32>
        %bitcast3A_223 = vector.bitcast %gather3A_213 : vector<16xi32> to vector<32xbf16>
        %unpack3A_224 = tpu.unpack_subelements %bitcast3A_223, 0 {pack_format = #tpu.pack_format<interleaved>} : vector<32xbf16> -> vector<16xf32>
        %unpack3A_225 = tpu.unpack_subelements %bitcast3A_223, 1 {pack_format = #tpu.pack_format<interleaved>} : vector<32xbf16> -> vector<16xf32>
        %bitcast3A_226 = vector.bitcast %gather3A_214 : vector<16xi32> to vector<32xbf16>
        %unpack3A_227 = tpu.unpack_subelements %bitcast3A_226, 0 {pack_format = #tpu.pack_format<interleaved>} : vector<32xbf16> -> vector<16xf32>
        %unpack3A_228 = tpu.unpack_subelements %bitcast3A_226, 1 {pack_format = #tpu.pack_format<interleaved>} : vector<32xbf16> -> vector<16xf32>
        %bitcast3A_229 = vector.bitcast %gather3A_215 : vector<16xi32> to vector<32xbf16>
        %unpack3A_230 = tpu.unpack_subelements %bitcast3A_229, 0 {pack_format = #tpu.pack_format<interleaved>} : vector<32xbf16> -> vector<16xf32>
        %unpack3A_231 = tpu.unpack_subelements %bitcast3A_229, 1 {pack_format = #tpu.pack_format<interleaved>} : vector<32xbf16> -> vector<16xf32>
        %bitcast3A_232 = vector.bitcast %gather3A_216 : vector<16xi32> to vector<32xbf16>
        %unpack3A_233 = tpu.unpack_subelements %bitcast3A_232, 0 {pack_format = #tpu.pack_format<interleaved>} : vector<32xbf16> -> vector<16xf32>
        %unpack3A_234 = tpu.unpack_subelements %bitcast3A_232, 1 {pack_format = #tpu.pack_format<interleaved>} : vector<32xbf16> -> vector<16xf32>
        %bitcast3A_235 = vector.bitcast %gather3A_217 : vector<16xi32> to vector<32xbf16>
        %unpack3A_236 = tpu.unpack_subelements %bitcast3A_235, 0 {pack_format = #tpu.pack_format<interleaved>} : vector<32xbf16> -> vector<16xf32>
        %unpack3A_237 = tpu.unpack_subelements %bitcast3A_235, 1 {pack_format = #tpu.pack_format<interleaved>} : vector<32xbf16> -> vector<16xf32>
        %bitcast3A_238 = vector.bitcast %gather3A_218 : vector<16xi32> to vector<32xbf16>
        %unpack3A_239 = tpu.unpack_subelements %bitcast3A_238, 0 {pack_format = #tpu.pack_format<interleaved>} : vector<32xbf16> -> vector<16xf32>
        %unpack3A_240 = tpu.unpack_subelements %bitcast3A_238, 1 {pack_format = #tpu.pack_format<interleaved>} : vector<32xbf16> -> vector<16xf32>
        %mul3A_241 = arith.mulf %unpack3A, %get3A_137 : vector<16xf32>
        tpu.vector_store_idx %arg8[%shift_right_logical3A_190], %mul3A_241 {add = true} : memref<16384xf32, #tpu.memory_space<vmem>>[vector<16xi32>], vector<16xf32>,
        %mul3A_242 = arith.mulf %unpack3A_221, %get3A_141 : vector<16xf32>
        tpu.vector_store_idx %arg8[%shift_right_logical3A_193], %mul3A_242 {add = true} : memref<16384xf32, #tpu.memory_space<vmem>>[vector<16xi32>], vector<16xf32>,
        %mul3A_243 = arith.mulf %unpack3A_224, %get3A_145 : vector<16xf32>
        tpu.vector_store_idx %arg8[%shift_right_logical3A_196], %mul3A_243 {add = true} : memref<16384xf32, #tpu.memory_space<vmem>>[vector<16xi32>], vector<16xf32>,
        %mul3A_244 = arith.mulf %unpack3A_227, %get3A_149 : vector<16xf32>
        tpu.vector_store_idx %arg8[%shift_right_logical3A_199], %mul3A_244 {add = true} : memref<16384xf32, #tpu.memory_space<vmem>>[vector<16xi32>], vector<16xf32>,
        %mul3A_245 = arith.mulf %unpack3A_230, %get3A_153 : vector<16xf32>
        tpu.vector_store_idx %arg8[%shift_right_logical3A_202], %mul3A_245 {add = true} : memref<16384xf32, #tpu.memory_space<vmem>>[vector<16xi32>], vector<16xf32>,
        %mul3A_246 = arith.mulf %unpack3A_233, %get3A_157 : vector<16xf32>
        tpu.vector_store_idx %arg8[%shift_right_logical3A_205], %mul3A_246 {add = true} : memref<16384xf32, #tpu.memory_space<vmem>>[vector<16xi32>], vector<16xf32>,
        %mul3A_247 = arith.mulf %unpack3A_236, %get3A_161 : vector<16xf32>
        tpu.vector_store_idx %arg8[%shift_right_logical3A_208], %mul3A_247 {add = true} : memref<16384xf32, #tpu.memory_space<vmem>>[vector<16xi32>], vector<16xf32>,
        %mul3A_248 = arith.mulf %unpack3A_239, %get3A_165 : vector<16xf32>
        tpu.vector_store_idx %arg8[%shift_right_logical3A_211], %mul3A_248 {add = true} : memref<16384xf32, #tpu.memory_space<vmem>>[vector<16xi32>], vector<16xf32>,
        %mul3A_249 = arith.mulf %unpack3A_219, %get3A_137 : vector<16xf32>
        tpu.vector_store_idx %arg9[%shift_right_logical3A_190], %mul3A_249 {add = true} : memref<16384xf32, #tpu.memory_space<vmem>>[vector<16xi32>], vector<16xf32>,
        %mul3A_250 = arith.mulf %unpack3A_222, %get3A_141 : vector<16xf32>
        tpu.vector_store_idx %arg9[%shift_right_logical3A_193], %mul3A_250 {add = true} : memref<16384xf32, #tpu.memory_space<vmem>>[vector<16xi32>], vector<16xf32>,
        %mul3A_251 = arith.mulf %unpack3A_225, %get3A_145 : vector<16xf32>
        tpu.vector_store_idx %arg9[%shift_right_logical3A_196], %mul3A_251 {add = true} : memref<16384xf32, #tpu.memory_space<vmem>>[vector<16xi32>], vector<16xf32>,
        %mul3A_252 = arith.mulf %unpack3A_228, %get3A_149 : vector<16xf32>
        tpu.vector_store_idx %arg9[%shift_right_logical3A_199], %mul3A_252 {add = true} : memref<16384xf32, #tpu.memory_space<vmem>>[vector<16xi32>], vector<16xf32>,
        %mul3A_253 = arith.mulf %unpack3A_231, %get3A_153 : vector<16xf32>
        tpu.vector_store_idx %arg9[%shift_right_logical3A_202], %mul3A_253 {add = true} : memref<16384xf32, #tpu.memory_space<vmem>>[vector<16xi32>], vector<16xf32>,
        %mul3A_254 = arith.mulf %unpack3A_234, %get3A_157 : vector<16xf32>
        tpu.vector_store_idx %arg9[%shift_right_logical3A_205], %mul3A_254 {add = true} : memref<16384xf32, #tpu.memory_space<vmem>>[vector<16xi32>], vector<16xf32>,
        %mul3A_255 = arith.mulf %unpack3A_237, %get3A_161 : vector<16xf32>
        tpu.vector_store_idx %arg9[%shift_right_logical3A_208], %mul3A_255 {add = true} : memref<16384xf32, #tpu.memory_space<vmem>>[vector<16xi32>], vector<16xf32>,
        %mul3A_256 = arith.mulf %unpack3A_240, %get3A_165 : vector<16xf32>
        tpu.vector_store_idx %arg9[%shift_right_logical3A_211], %mul3A_256 {add = true} : memref<16384xf32, #tpu.memory_space<vmem>>[vector<16xi32>], vector<16xf32>,
      }
      %scan3A_87 = arith.constant 32 : i32
      %add3A_88 = arith.constant 2 : i32
      %add3A_89 = arith.addi %add3A_73, %add3A_88 : i32
      %min3A_90 = arith.constant 65 : i32
      %min3A_91 = arith.minsi %add3A_89, %min3A_90 : i32
      %mul3A_92 = arith.constant 4096 : i32
      %mul3A_93 = arith.muli %min3A_91, %mul3A_92 : i32
      %dma_start3A_94 = tpu.memref_slice %arg3[%mul3A_93] : memref<270336xi32, #tpu.memory_space<hbm>> -> memref<4096xi32, #tpu.memory_space<hbm>>
      %dma_start3A_95 = tpu.memref_slice %arg3[%mul3A_93] : memref<270336xi32, #tpu.memory_space<hbm>> -> memref<4096xi32, #tpu.memory_space<hbm>>
      tpu.enqueue_dma source(%dma_start3A_95 : memref<4096xi32, #tpu.memory_space<hbm>>) target(%arg12 : memref<4096xi32, #tpu.memory_space<vmem>>) target_semaphore(%arg15 : memref<!tpu.dma_semaphore, #tpu.memory_space<semaphore_mem>>)
      %mul3A_96 = arith.constant 4096 : i32
      %mul3A_97 = arith.muli %min3A_91, %mul3A_96 : i32
      %dma_start3A_98 = tpu.memref_slice %arg4[%mul3A_97] : memref<270336xf32, #tpu.memory_space<hbm>> -> memref<4096xf32, #tpu.memory_space<hbm>>
      %dma_start3A_99 = tpu.memref_slice %arg4[%mul3A_97] : memref<270336xf32, #tpu.memory_space<hbm>> -> memref<4096xf32, #tpu.memory_space<hbm>>
      tpu.enqueue_dma source(%dma_start3A_99 : memref<4096xf32, #tpu.memory_space<hbm>>) target(%arg13 : memref<4096xf32, #tpu.memory_space<vmem>>) target_semaphore(%arg15 : memref<!tpu.dma_semaphore, #tpu.memory_space<semaphore_mem>>)
    }
    %scan3A_22 = arith.constant 33 : i32
    %dma_wait3A = arith.constant 266240 : i32
    %dma_wait3A_23 = tpu.memref_slice %arg3[%dma_wait3A] : memref<270336xi32, #tpu.memory_space<hbm>> -> memref<4096xi32, #tpu.memory_space<hbm>>
    %dma_wait3A_24 = arith.constant 266240 : i32
    %dma_wait3A_25 = tpu.memref_slice %arg3[%dma_wait3A_24] : memref<270336xi32, #tpu.memory_space<hbm>> -> memref<4096xi32, #tpu.memory_space<hbm>>
    tpu.wait_dma2 semaphore(%arg14 : memref<!tpu.dma_semaphore, #tpu.memory_space<semaphore_mem>>) src(%dma_wait3A_25 : memref<4096xi32, #tpu.memory_space<hbm>>) dst(%arg10 : memref<4096xi32, #tpu.memory_space<vmem>>)
    %dma_wait3A_26 = arith.constant 266240 : i32
    %dma_wait3A_27 = tpu.memref_slice %arg4[%dma_wait3A_26] : memref<270336xf32, #tpu.memory_space<hbm>> -> memref<4096xf32, #tpu.memory_space<hbm>>
    %dma_wait3A_28 = arith.constant 266240 : i32
    %dma_wait3A_29 = tpu.memref_slice %arg4[%dma_wait3A_28] : memref<270336xf32, #tpu.memory_space<hbm>> -> memref<4096xf32, #tpu.memory_space<hbm>>
    tpu.wait_dma2 semaphore(%arg14 : memref<!tpu.dma_semaphore, #tpu.memory_space<semaphore_mem>>) src(%dma_wait3A_29 : memref<4096xf32, #tpu.memory_space<hbm>>) dst(%arg11 : memref<4096xf32, #tpu.memory_space<vmem>>)
    %dma_wait3A_30 = arith.constant 266240 : i32
    %dma_wait3A_31 = tpu.memref_slice %arg3[%dma_wait3A_30] : memref<270336xi32, #tpu.memory_space<hbm>> -> memref<4096xi32, #tpu.memory_space<hbm>>
    %dma_wait3A_32 = arith.constant 266240 : i32
    %dma_wait3A_33 = tpu.memref_slice %arg3[%dma_wait3A_32] : memref<270336xi32, #tpu.memory_space<hbm>> -> memref<4096xi32, #tpu.memory_space<hbm>>
    tpu.wait_dma2 semaphore(%arg15 : memref<!tpu.dma_semaphore, #tpu.memory_space<semaphore_mem>>) src(%dma_wait3A_33 : memref<4096xi32, #tpu.memory_space<hbm>>) dst(%arg12 : memref<4096xi32, #tpu.memory_space<vmem>>)
    %dma_wait3A_34 = arith.constant 266240 : i32
    %dma_wait3A_35 = tpu.memref_slice %arg4[%dma_wait3A_34] : memref<270336xf32, #tpu.memory_space<hbm>> -> memref<4096xf32, #tpu.memory_space<hbm>>
    %dma_wait3A_36 = arith.constant 266240 : i32
    %dma_wait3A_37 = tpu.memref_slice %arg4[%dma_wait3A_36] : memref<270336xf32, #tpu.memory_space<hbm>> -> memref<4096xf32, #tpu.memory_space<hbm>>
    tpu.wait_dma2 semaphore(%arg15 : memref<!tpu.dma_semaphore, #tpu.memory_space<semaphore_mem>>) src(%dma_wait3A_37 : memref<4096xf32, #tpu.memory_space<hbm>>) dst(%arg13 : memref<4096xf32, #tpu.memory_space<vmem>>)
    "tpu.region"() ({
      %run_scoped3A = tpu.sem_alloc : memref<!tpu.dma_semaphore, #tpu.memory_space<semaphore_mem>>
      %dma_start3A_40 = arith.constant 0 : i32
      %dma_start3A_41 = tpu.memref_slice %arg6[%mul3A_2, %dma_start3A_40] : memref<64x16384xf32, #tpu.memory_space<hbm>> -> memref<1x16384xf32, #tpu.memory_space<hbm>>
      %dma_start3A_42 = tpu.memref_squeeze %dma_start3A_41 : memref<1x16384xf32, #tpu.memory_space<hbm>> -> memref<16384xf32, #tpu.memory_space<hbm>>
      %dma_start3A_43 = arith.constant 0 : i32
      %dma_start3A_44 = tpu.memref_slice %arg6[%mul3A_2, %dma_start3A_43] : memref<64x16384xf32, #tpu.memory_space<hbm>> -> memref<1x16384xf32, #tpu.memory_space<hbm>>
      %dma_start3A_45 = tpu.memref_squeeze %dma_start3A_44 : memref<1x16384xf32, #tpu.memory_space<hbm>> -> memref<16384xf32, #tpu.memory_space<hbm>>
      tpu.enqueue_dma source(%arg8 : memref<16384xf32, #tpu.memory_space<vmem>>) target(%dma_start3A_45 : memref<16384xf32, #tpu.memory_space<hbm>>) target_semaphore(%run_scoped3A : memref<!tpu.dma_semaphore, #tpu.memory_space<semaphore_mem>>)
      %dma_wait3A_46 = arith.constant 0 : i32
      %dma_wait3A_47 = tpu.memref_slice %arg6[%mul3A_2, %dma_wait3A_46] : memref<64x16384xf32, #tpu.memory_space<hbm>> -> memref<1x16384xf32, #tpu.memory_space<hbm>>
      %dma_wait3A_48 = tpu.memref_squeeze %dma_wait3A_47 : memref<1x16384xf32, #tpu.memory_space<hbm>> -> memref<16384xf32, #tpu.memory_space<hbm>>
      %dma_wait3A_49 = arith.constant 0 : i32
      %dma_wait3A_50 = tpu.memref_slice %arg6[%mul3A_2, %dma_wait3A_49] : memref<64x16384xf32, #tpu.memory_space<hbm>> -> memref<1x16384xf32, #tpu.memory_space<hbm>>
      %dma_wait3A_51 = tpu.memref_squeeze %dma_wait3A_50 : memref<1x16384xf32, #tpu.memory_space<hbm>> -> memref<16384xf32, #tpu.memory_space<hbm>>
      tpu.wait_dma2 semaphore(%run_scoped3A : memref<!tpu.dma_semaphore, #tpu.memory_space<semaphore_mem>>) src(%arg8 : memref<16384xf32, #tpu.memory_space<vmem>>) dst(%dma_wait3A_51 : memref<16384xf32, #tpu.memory_space<hbm>>)
      tpu.yield
    }) : () -> ()
    %add3A_38 = arith.constant 1 : i32
    %add3A_39 = arith.addi %mul3A_2, %add3A_38 : i32
    "tpu.region"() ({
      %run_scoped3A = tpu.sem_alloc : memref<!tpu.dma_semaphore, #tpu.memory_space<semaphore_mem>>
      %dma_start3A_40 = arith.constant 0 : i32
      %dma_start3A_41 = tpu.memref_slice %arg6[%add3A_39, %dma_start3A_40] : memref<64x16384xf32, #tpu.memory_space<hbm>> -> memref<1x16384xf32, #tpu.memory_space<hbm>>
      %dma_start3A_42 = tpu.memref_squeeze %dma_start3A_41 : memref<1x16384xf32, #tpu.memory_space<hbm>> -> memref<16384xf32, #tpu.memory_space<hbm>>
      %dma_start3A_43 = arith.constant 0 : i32
      %dma_start3A_44 = tpu.memref_slice %arg6[%add3A_39, %dma_start3A_43] : memref<64x16384xf32, #tpu.memory_space<hbm>> -> memref<1x16384xf32, #tpu.memory_space<hbm>>
      %dma_start3A_45 = tpu.memref_squeeze %dma_start3A_44 : memref<1x16384xf32, #tpu.memory_space<hbm>> -> memref<16384xf32, #tpu.memory_space<hbm>>
      tpu.enqueue_dma source(%arg9 : memref<16384xf32, #tpu.memory_space<vmem>>) target(%dma_start3A_45 : memref<16384xf32, #tpu.memory_space<hbm>>) target_semaphore(%run_scoped3A : memref<!tpu.dma_semaphore, #tpu.memory_space<semaphore_mem>>)
      %dma_wait3A_46 = arith.constant 0 : i32
      %dma_wait3A_47 = tpu.memref_slice %arg6[%add3A_39, %dma_wait3A_46] : memref<64x16384xf32, #tpu.memory_space<hbm>> -> memref<1x16384xf32, #tpu.memory_space<hbm>>
      %dma_wait3A_48 = tpu.memref_squeeze %dma_wait3A_47 : memref<1x16384xf32, #tpu.memory_space<hbm>> -> memref<16384xf32, #tpu.memory_space<hbm>>
      %dma_wait3A_49 = arith.constant 0 : i32
      %dma_wait3A_50 = tpu.memref_slice %arg6[%add3A_39, %dma_wait3A_49] : memref<64x16384xf32, #tpu.memory_space<hbm>> -> memref<1x16384xf32, #tpu.memory_space<hbm>>
      %dma_wait3A_51 = tpu.memref_squeeze %dma_wait3A_50 : memref<1x16384xf32, #tpu.memory_space<hbm>> -> memref<16384xf32, #tpu.memory_space<hbm>>
      tpu.wait_dma2 semaphore(%run_scoped3A : memref<!tpu.dma_semaphore, #tpu.memory_space<semaphore_mem>>) src(%arg9 : memref<16384xf32, #tpu.memory_space<vmem>>) dst(%dma_wait3A_51 : memref<16384xf32, #tpu.memory_space<hbm>>)
      tpu.yield
    }) : () -> ()
    return
  }
}

</mosaic_0001>

<sc_bundles>
// kernel: kernel.3.cloned.1.call-start
scs
__scs_entry_jumppad:
0x0: {  	(pc) =	sbr.rel $0x88, $3  }
0x1: {  	(tag) =	ssettag $0x0;
	lr =	simm.s32 $0x1  }
0x2: {  	[smem:$0x3F9D] =	sst lr;
	_ =	strace $0xD0000000  }
0x3: {  	_ = 	snop  }
0x4: {  	_ = 	snop  }
0x5: {  	_ = 	snop  }
0x6: {  	_ = 	snop  }
0x7: {  	_ = 	snop  }
__scs_overlays_trampoline_lowered:
0x8: {  	[smem:$0x3FAC] =	sst s0  }
0x9: {  	[smem:$0x3FAD] =	sst s1  }
0xa: {  	[smem:$0x3FAE] =	sst s2  }
0xb: {  	[smem:$0x3FAF] =	sst s3  }
0xc: {  	[smem:$0x3FB0] =	sst s4  }
0xd: {  	[smem:$0x3FB1] =	sst s5  }
0xe: {  	[smem:$0x3FB2] =	sst s6  }
0xf: {  	[smem:$0x3FB3] =	sst s7  }
0x10: {  	[smem:$0x3FB4] =	sst s8  }
0x11: {  	[smem:$0x3FB5] =	sst s9;
	s0 =	simm.s32 @!p0 $0x0  }
0x12: {  	s1 =	sld [smem:$0x3F9B];
	s0 =	simm.s32 @p0 $0x1  }
0x13: {  	[smem:$0x3FB6] =	sst s0;
	s0 =	simm.s32 @!p1 $0x0  }
0x14: {  	s2 =	sld [smem:$0x3F9A];
	s0 =	simm.s32 @p1 $0x1  }
0x15: {  	[smem:$0x3FB7] =	sst s0;
	s0 =	simm.s32 @!p2 $0x0  }
0x16: {  	s3 =	sld [smem:$0x3FDB];
	s0 =	simm.s32 @p2 $0x1  }
0x17: {  	s4 =	simm.s32 $0x1BF5;
	[smem:$0x3FB9] =	sst s0  }
0x18: {  	s0 =	sld [smem:$0x3F9C];
	_ =	swait.ge [sflag:s4], $0x0  }
0x19: {  	s7 =	sld [smem:$0x3F9D]  }
0x1a: {  	s8 =	sadd.s32 $0xFFFFE003, lr  }
0x1b: {  	s9 =	sadd.s32 $0xFFFFFEF7, lr;
	s5 =	simm.s32 $0xFFFFFFFF;
	p2 =	slt.u32 s8, $0xFFFFF086  }
0x1c: {  	p1 =	slt.u32 s9, $0xF7A;
	s5 =	simm.s32 @!p2 $0x0  }
0x1d: {  	s5 =	simm.s32 @p1 $0x1;
	p0 =	seq.s32 s7, s2  }
0x1e: {  	s7 =	smul.u32 @!p0 $0xF7A, s2;
	p2 =	seq.s32 @!p0 s5, $0x0  }
0x1f: {  	s9 =	smul.u32 $0xF7A, s1;
	s8 =	simm.s32 @!p0 $0x1BF5;
	p2 =	por !p2, p0  }
0x20: {  	[sflag:s8] =	ssyncset.s32 @!p0 $0xFFFFF086;
	s6 =	sadd.s32 @!p0 s3, s7;
	s7 =	simm.s32 @!p0 $0x108  }
0x21: {  	s3 =	sadd.s32 s3, s9;
	s6 =	sadd.s32 @!p0 $0x88, s6;
	s7 =	simm.s32 @p2 $0x1082  }
0x22: {  	[simem:s7], [sflag:s8] =	dma.local @!p0 [hbm:s6], $0xF7A  }
0x23: {  	s9 =	sor.u32 $0xD0000000, s2;
	s6 =	simm.s32 $0x108;
	_ =	swait.ge @!p0 [sflag:s8], $0x0  }
0x24: {  	s3 =	sadd.s32 $0x88, s3;
	s6 =	simm.s32 @!p1 $0x1082;
	[sflag:s4] =	ssyncset.s32 $0xFFFFF086  }
0x25: {  	[simem:s6], [sflag:s4] =	dma.local [hbm:s3], $0xF7A  }
0x26: {  	[smem:$0x3F9D] =	sst s1;
	(tag) =	ssettag s2;
	_ =	strace s9  }
0x27: {  	s1 =	sld [smem:$0x3FAD]  }
0x28: {  	s2 =	sld [smem:$0x3FAE]  }
0x29: {  	s4 =	sld [smem:$0x3FB0]  }
0x2a: {  	p0 =	seq.s32 s5, $0x0;
	s5 =	sld [smem:$0x3FB1]  }
0x2b: {  	s6 =	sld [smem:$0x3FB2]  }
0x2c: {  	s7 =	sld [smem:$0x3FB3]  }
0x2d: {  	s3 =	simm.s32 $0x108;
	s8 =	sld [smem:$0x3FB4]  }
0x2e: {  	s3 =	simm.s32 @!p0 $0x1082;
	s9 =	sld [smem:$0x3FB5]  }
0x2f: {  	lr =	sadd.s32 s0, s3;
	s0 =	sld [smem:$0x3FAC]  }
0x30: {  	s3 =	sld [smem:$0x3FAF]  }
0x31: {  	[smem:$0x3FB8] =	sst s10  }
0x32: {  	s10 =	sld [smem:$0x3FB6];
	_ =	sdelay $0x3  }
0x33: {  	p0 =	seq.s32 s10, $0x1;
	s10 =	sld [smem:$0x3FB8];
	_ =	sdelay $0x3  }
0x34: {  	[smem:$0x3FB8] =	sst s10  }
0x35: {  	s10 =	sld [smem:$0x3FB7];
	_ =	sdelay $0x3  }
0x36: {  	p1 =	seq.s32 s10, $0x1;
	s10 =	sld [smem:$0x3FB8];
	_ =	sdelay $0x3  }
0x37: {  	[smem:$0x3FB8] =	sst s10  }
0x38: {  	s10 =	sld [smem:$0x3FB9]  }
0x39: {  	_ = 	snop;
	(pc) =	sbr.ind lr, $3  }
0x3a: {  	_ = 	snop  }
0x3b: {  	_ = 	snop  }
0x3c: {  	p2 =	seq.s32 s10, $0x1;
	s10 =	sld [smem:$0x3FB8]  }
0x3d: {  	_ =	shalt  }
0x3e: {  	_ =	shalt  }
0x3f: {  	_ =	shalt  }
0x40: {  	_ =	shalt  }
0x41: {  	_ =	shalt  }
0x42: {  	_ =	shalt  }
0x43: {  	_ =	shalt  }
0x44: {  	_ =	shalt  }
0x45: {  	_ =	shalt  }
0x46: {  	_ =	shalt  }
0x47: {  	_ =	shalt  }
0x48: {  	_ =	shalt  }
0x49: {  	_ =	shalt  }
0x4a: {  	_ =	shalt  }
0x4b: {  	_ =	shalt  }
0x4c: {  	_ =	shalt  }
0x4d: {  	_ =	shalt  }
0x4e: {  	_ =	shalt  }
0x4f: {  	_ =	shalt  }
0x50: {  	_ =	shalt  }
0x51: {  	_ =	shalt  }
0x52: {  	_ =	shalt  }
0x53: {  	_ =	shalt  }
0x54: {  	_ =	shalt  }
0x55: {  	_ =	shalt  }
0x56: {  	_ =	shalt  }
0x57: {  	_ =	shalt  }
0x58: {  	_ =	shalt  }
0x59: {  	_ =	shalt  }
0x5a: {  	_ =	shalt  }
0x5b: {  	_ =	shalt  }
0x5c: {  	_ =	shalt  }
0x5d: {  	_ =	shalt  }
0x5e: {  	_ =	shalt  }
0x5f: {  	_ =	shalt  }
0x60: {  	_ =	shalt  }
0x61: {  	_ =	shalt  }
0x62: {  	_ =	shalt  }
0x63: {  	_ =	shalt  }
0x64: {  	_ =	shalt  }
0x65: {  	_ =	shalt  }
0x66: {  	_ =	shalt  }
0x67: {  	_ =	shalt  }
0x68: {  	_ =	shalt  }
0x69: {  	_ =	shalt  }
0x6a: {  	_ =	shalt  }
0x6b: {  	_ =	shalt  }
0x6c: {  	_ =	shalt  }
0x6d: {  	_ =	shalt  }
0x6e: {  	_ =	shalt  }
0x6f: {  	_ =	shalt  }
0x70: {  	_ =	shalt  }
0x71: {  	_ =	shalt  }
0x72: {  	_ =	shalt  }
0x73: {  	_ =	shalt  }
0x74: {  	_ =	shalt  }
0x75: {  	_ =	shalt  }
0x76: {  	_ =	shalt  }
0x77: {  	_ =	shalt  }
0x78: {  	_ =	shalt  }
0x79: {  	_ =	shalt  }
0x7a: {  	_ =	shalt  }
0x7b: {  	_ =	shalt  }
0x7c: {  	_ =	shalt  }
0x7d: {  	_ =	shalt  }
0x7e: {  	_ =	shalt  }
0x7f: {  	_ =	shalt  }
0x80: {  	_ =	shalt  }
0x81: {  	_ =	shalt  }
0x82: {  	_ =	shalt  }
0x83: {  	_ =	shalt  }
0x84: {  	_ =	shalt  }
0x85: {  	_ =	shalt  }
0x86: {  	_ =	shalt  }
0x87: {  	_ =	shalt  }
.Lfunc_end0:
.L_simem_size_0:
called_computation_lowered:
.L_overlay_start_0:
0x88: {  	s2 =	sld [smem:$0x3FD9]  }
0x89: {  	s3 =	sld [smem:$0x3FFE];
	_ =	sdelay $0x1  }
0x8a: {  	s1 =	srdreg.scid  }
0x8b: {  	s0 =	sand.u32 $0x1, s1  }
0x8c: {  	s17 =	sshll.u32 s0, $0xA;
	s2 =	sadd.s32 s3, s2  }
0x8d: {  	s2 =	sadd.s32 s2, s17  }
0x8e: {  	[smem:$0x3FC4] =	sst s2  }
0x8f: {  	_ = 	snop  }
0x90: {  	s2 =	sld [smem:$0x3FC7]  }
0x91: {  	s18 =	sld [smem:$0x3FD0];
	(tm) =	ssettm $0x1  }
0x92: {  	s4 =	sld [smem:$0x3FFB];
	_ =	sdelay $0x3  }
0x93: {  	_ =	strace s4  }
0x94: {  	s4 =	sld [smem:$0x3FFC];
	_ =	sdelay $0x3  }
0x95: {  	_ =	strace s4  }
0x96: {  	s4 =	sld [smem:$0x3FFD];
	_ =	sdelay $0x3  }
0x97: {  	_ =	strace s4  }
0x98: {  	_ =	strace $0x8FFFFFFF  }
0x99: {  	s19 =	sld [smem:$0x3FDB];
	_ =	sdelay $0x1  }
0x9a: {  	s5 =	simm.s32 $_scs_section_size  }
0x9b: {  	s6 =	simm.s32 $_size__tile_overlayer_lowered;
	s7 =	simm.s32 $_tile_overlayer_lowered  }
0x9c: {  	s22 =	simm.s32 $0x1BFF;
	s21 =	sshll.u32 s7, $0x1;
	s4 =	sadd.s32 s5, s19  }
0x9d: {  	s8 =	simm.s32 $0x0;
	s20 =	sshll.u32 s6, $0x1;
	s6 =	sadd.s32 s21, s4  }
0x9e: {  	[timem:s8], [sflag:s22] =	dma.local [hbm:s6], s20  }
0x9f: {  	_ =	swait.ge [sflag:s22], s20  }
0xa0: {  	s5 =	ssub.s32 $0x0, s20;
	[sflag:s22] =	ssyncset.done $0x0  }
0xa1: {  	[sflag:s22] =	ssyncadd.s32 s5;
	_ =	sdelay $0x1  }
0xa2: {  	s23 =	simm.s32 $0x1B8B  }
0xa3: {  	_ =	swait.ge [sflag:s23], $0x1  }
0xa4: {  	[sflag:s23] =	ssyncset.done $0x0  }
0xa5: {  	s25 =	simm.s32 $0x1B8E;
	s24 =	sld [smem:$0x3FFE];
	[sflag:s23] =	ssyncadd.s32 $0xFFFFFFFF  }
0xa6: {  	s26 =	simm.s32 $execute0_lowered;
	[smem:$0x3FD2] =	sst s25  }
0xa7: {  	s6 =	sshll.u32 s26, $0x1;
	_ =	strace $0x80000046;
	[dreg:$0x1] =	wrdreg $0xFFFFFFFF  }
0xa8: {  	s28 =	simm.s32 $_size_execute0_lowered;
	s4 =	sadd.s32 s4, s6;
	[dreg:$0x0] =	wrdreg $0x0  }
0xa9: {  	s6 =	sshll.u32 s28, $0x1;
	[dreg:$0x2] =	wrdreg s4  }
0xaa: {  	[dreg:$0x3] =	wrdreg s6  }
0xab: {  	[dreg:$0x4] =	wrdreg $0xC0  }
0xac: {  	_ =	task [dreg:s8], $0x5FFFF  }
0xad: {  	[dreg:$0x1] =	wrdreg $0xFFFFFFFF  }
0xae: {  	[dreg:$0x0] =	wrdreg $0x60  }
0xaf: {  	[dreg:$0x2] =	wrdreg s18  }
0xb0: {  	[dreg:$0x3] =	wrdreg s24  }
0xb1: {  	[dreg:$0x4] =	wrdreg s2  }
0xb2: {  	[dreg:$0x5] =	wrdreg $0x9  }
0xb3: {  	_ =	task.clear_ibuf [dreg:s8], $0x6FFFF;
	_ =	strace $0x90000046  }
0xb4: {  	s29 =	simm.s32 $0x9;
	_ =	strace $0x80000048  }
0xb5: {  	_ =	swait.ge [sflag:s29], $0x1  }
0xb6: {  	[sflag:s29] =	ssyncadd.s32 $0xFFFFFFFF  }
0xb7: {  	_ =	strace $0x90000048  }
0xb8: {  	_ =	sfence  }
0xb9: {  	s30 =	sld [smem:$0x0];
	_ =	sdelay $0x2  }
0xba: {  	s31 =	sshll.u32 s1, $0xD;
	s1 =	sshrl.u32 s1, $0x2  }
0xbb: {  	s3 =	sand.u32 $0x4000, s31;
	s1 =	sadd.s32 s1, s30  }
0xbc: {  	s0 =	sor.u32 s3, s0;
	s1 =	sshll.u32 s1, $0x11  }
0xbd: {  	s0 =	sor.u32 s1, s0  }
0xbe: {  	s0 =	sadd.s32 $0x8F2B, s0  }
0xbf: {  	[sflag:s0] =	ssyncadd.remote.s32 $0x1  }
0xc0: {  	_ =	sfence.sel $0xFFFF  }
0xc1: {  	[dreg:$0x0] =	wrdreg $0xFFFFFFFF;
	(pc) =	sbr.abs _section_cstart, $3  }
0xc2: {  	[dreg:$0x1] =	wrdreg $0xFFFFFFFF  }
0xc3: {  	_ =	task.clear_ibuf [dreg:s8], $0x2FFFF;
	_ =	strace $0x9FFFFFFF  }
0xc4: {  	(tm) =	ssettm $0x7FFFFFFF  }
0xc5: {  	_ =	shalt  }
tec
execute0_lowered:
.L_overlay_start_1:
0x0: {  	(tag) =	ssettag $0x1  }
0x1: {  	s6 =	rddreg [dreg:$0x0]  }
0x2: {  	s8 =	rddreg [dreg:$0x1]  }
0x3: {  	s1 =	rddreg [dreg:$0x2]  }
0x4: {  	s0 =	rddreg [dreg:$0x3]  }
0x5: {  	s3 =	simm.s32 $0x0;
	s5 =	srdreg.scid;
	s2 =	stileid.u32  }
0x6: {  	s12 =	simm.s32 $0x3;
	s13 =	simm.s32 $0x4000;
	s14 =	simm.s32 $0x8000  }
0x7: {  	s15 =	simm.s32 $0xC000;
	s16 =	simm.s32 $0xD000;
	s17 =	simm.s32 $0xE000  }
0x8: {  	s18 =	simm.s32 $0xF000;
	s19 =	simm.s32 $0x1;
	s20 =	simm.s32 $0x2  }
0x9: {  	s21 =	simm.s32 $0x0;
	s26 =	simm.s32 $0x0;
	[smem:$0x7FF] =	sst s3  }
0xa: {  	s4 =	sadd.s32 $0x400, s8;
	s7 =	sand.u32 $0x1, s5;
	s9 =	sshll.u32 s2, $0x1  }
0xb: {  	s5 =	sadd.s32 $0x8800, s8;
	s9 =	sor.u32 s7, s9;
	s7 =	ssub.s32 $0x2, s7  }
0xc: {  	_ =	strace $0x80000047;
	s10 =	sshll.u32 s9, $0xC;
	s11 =	sshrl.u32 s7, $0x1  }
0xd: {  	s9 =	sshll.u32 s9, $0xB;
	s10 =	sadd.s32 s10, s8;
	s11 =	ssub.s32 s7, s11  }
0xe: {  	s6 =	sadd.s32 s6, s9;
	s7 =	sadd.s32 $0x600, s8;
	s8 =	sadd.s32 $0x8A00, s8  }
0xf: {  	s9 =	sadd.s32 $0x10C00, s10;
	s10 =	sadd.s32 $0x11400, s10;
	s11 =	smax.u32 s11, $0x1  }
.LBB2_1:
0x10: {  	[tilespmem:s3], [sflag:$0x3] =	stream.linear.gather [hbm4b:s6+s3], $0x4000, $0x38;
	[tilespmem:$0x10000] =	vst v63  }
0x11: {  	_ =	swait.ge [sflag:s12], $0x4000  }
0x12: {  	[sflag:s12] =	ssyncset.done $0x0  }
0x13: {  	[sflag:s12] =	ssyncadd.s32 $0xFFFFC000  }
0x14: {  	[tilespmem:s13], [sflag:$0x3] =	stream.linear.gather [hbm4b:s1+s3], $0x4000, $0x38;
	[tilespmem:$0x10000] =	vst v63  }
0x15: {  	_ =	swait.ge [sflag:s12], $0x4000  }
0x16: {  	[sflag:s12] =	ssyncset.done $0x0  }
0x17: {  	[sflag:s12] =	ssyncadd.s32 $0xFFFFC000  }
0x18: {  	[tilespmem:s14], [sflag:$0x3] =	stream.linear.gather [hbm4b:s1+s3], $0x4000, $0x38;
	[tilespmem:$0x10000] =	vst v63  }
0x19: {  	_ =	swait.ge [sflag:s12], $0x4000  }
0x1a: {  	[sflag:s12] =	ssyncset.done $0x0  }
0x1b: {  	[sflag:s12] =	ssyncadd.s32 $0xFFFFC000  }
0x1c: {  	[tilespmem:s15], [sflag:$0x1] =	stream.linear.gather [hbm4b:s4+s3], $0x1000, $0x38;
	[tilespmem:$0x10000] =	vst v63  }
0x1d: {  	_ = 	snop  }
0x1e: {  	[tilespmem:s16], [sflag:$0x1] =	stream.linear.gather [hbm4b:s5+s3], $0x1000, $0x38;
	[tilespmem:$0x10000] =	vst v63  }
0x1f: {  	_ = 	snop  }
0x20: {  	[tilespmem:s17], [sflag:$0x2] =	stream.linear.gather [hbm4b:s7+s3], $0x1000, $0x38;
	[tilespmem:$0x10000] =	vst v63  }
0x21: {  	s22 =	simm.s32 $0x0  }
0x22: {  	[tilespmem:s18], [sflag:$0x2] =	stream.linear.gather [hbm4b:s8+s3], $0x1000, $0x38;
	[tilespmem:$0x10000] =	vst v63  }
.LBB2_2:
0x23: {  	_ =	swait.ge [sflag:s19], $0x1000  }
0x24: {  	[sflag:s19] =	ssyncset.done $0x0  }
0x25: {  	[sflag:s19] =	ssyncadd.s32 $0xFFFFF000  }
0x26: {  	_ =	swait.ge [sflag:s19], $0x1000  }
0x27: {  	[sflag:s19] =	ssyncset.done $0x0  }
0x28: {  	s23 =	simm.s32 $0x0;
	[sflag:s19] =	ssyncadd.s32 $0xFFFFF000  }
0x29: {  	v0 =	vld [tilespmem:s23+$0xC050]  }
0x2a: {  	v1 =	vld [tilespmem:s23+$0xC040]  }
0x2b: {  	v2 =	vld [tilespmem:s23+$0xC030]  }
0x2c: {  	v3 =	vld [tilespmem:s23+$0xC020]  }
0x2d: {  	v4 =	vld [tilespmem:s23+$0xC010]  }
0x2e: {  	v5 =	vld [tilespmem:s23+$0xC000]  }
0x2f: {  	v6 =	vld [tilespmem:s23+$0xC060]  }
0x30: {  	v7 =	vld [tilespmem:s23+$0xC070]  }
0x31: {  	v8 =	vld [tilespmem:s23+$0xD010]  }
0x32: {  	v9 =	vld [tilespmem:s23+$0xD000]  }
0x33: {  	v11 =	vld [tilespmem:s23+$0xD030]  }
0x34: {  	v13 =	vld [tilespmem:s23+$0xD020];
	v12 =	vand.u32 $0xFFFF, v5  }
0x35: {  	v15 =	vld [tilespmem:s23+$0xD040];
	v14 =	vand.u32 $0xFFFF, v4  }
0x36: {  	v17 =	vld [tilespmem:s23+$0xD050];
	v16 =	vand.u32 $0xFFFF, v3  }
0x37: {  	v23 =	vld [tilespmem:s23+$0xD060];
	v18 =	vand.u32 $0xFFFF, v2  }
0x38: {  	v25 =	vld [tilespmem:s23+$0xD070];
	v19 =	vand.u32 $0xFFFF, v1  }
0x39: {  	v10 =	vand.u32 $0xFFFF, v0;
	v12 =	vld.idx.msk [tilespmem:v12+s3+$0x0], $0xffff  }
0x3a: {  	v21 =	vand.u32 $0xFFFF, v6;
	v14 =	vld.idx.msk [tilespmem:v14+s3+$0x0], $0xffff  }
0x3b: {  	v20 =	vand.u32 $0xFFFF, v7;
	v16 =	vld.idx.msk [tilespmem:v16+s3+$0x0], $0xffff  }
0x3c: {  	v5 =	vshrl.u32 v5, $0x10;
	v18 =	vld.idx.msk [tilespmem:v18+s3+$0x0], $0xffff  }
0x3d: {  	v4 =	vshrl.u32 v4, $0x10;
	v19 =	vld.idx.msk [tilespmem:v19+s3+$0x0], $0xffff  }
0x3e: {  	v3 =	vshrl.u32 v3, $0x10;
	v10 =	vld.idx.msk [tilespmem:v10+s3+$0x0], $0xffff;
	v22 =	vunpack.i.l.bf16.f32 v12  }
0x3f: {  	v2 =	vshrl.u32 v2, $0x10;
	v21 =	vld.idx.msk [tilespmem:v21+s3+$0x0], $0xffff;
	v24 =	vunpack.i.l.bf16.f32 v14;
	v22 =	vmul.f32 v22, v9  }
0x40: {  	v1 =	vshrl.u32 v1, $0x10;
	v20 =	vld.idx.msk [tilespmem:v20+s3+$0x0], $0xffff;
	v26 =	vunpack.i.l.bf16.f32 v16;
	v24 =	vmul.f32 v24, v8  }
0x41: {  	v27 =	vshrl.u32 v0, $0x10;
	v0 =	vunpack.i.l.bf16.f32 v18;
	v50 =	vmul.f32 v26, v13;
	[tilespmem:v5+s13+$0x0] =	vst.idx.add.f32.msk $0xffff, v22  }
0x42: {  	v6 =	vshrl.u32 v6, $0x10;
	v51 =	vunpack.i.l.bf16.f32 v19;
	v52 =	vmul.f32 v0, v11;
	[tilespmem:v4+s13+$0x0] =	vst.idx.add.f32.msk $0xffff, v24  }
0x43: {  	v53 =	vunpack.i.l.bf16.f32 v10;
	v0 =	vshrl.u32 v7, $0x10;
	v54 =	vmul.f32 v51, v15;
	[tilespmem:v3+s13+$0x0] =	vst.idx.add.f32.msk $0xffff, v50  }
0x44: {  	v55 =	vunpack.i.l.bf16.f32 v21;
	v7 =	vmul.f32 v53, v17;
	[tilespmem:v2+s13+$0x0] =	vst.idx.add.f32.msk $0xffff, v52  }
0x45: {  	v56 =	vunpack.i.l.bf16.f32 v20;
	v57 =	vmul.f32 v55, v23;
	[tilespmem:v1+s13+$0x0] =	vst.idx.add.f32.msk $0xffff, v54  }
0x46: {  	v12 =	vunpack.i.u.bf16.f32 v12;
	v58 =	vmul.f32 v56, v25;
	[tilespmem:v27+s13+$0x0] =	vst.idx.add.f32.msk $0xffff, v7  }
0x47: {  	v14 =	vunpack.i.u.bf16.f32 v14;
	v9 =	vmul.f32 v12, v9;
	[tilespmem:v6+s13+$0x0] =	vst.idx.add.f32.msk $0xffff, v57  }
0x48: {  	v59 =	vunpack.i.u.bf16.f32 v16;
	v8 =	vmul.f32 v14, v8;
	[tilespmem:v0+s13+$0x0] =	vst.idx.add.f32.msk $0xffff, v58  }
0x49: {  	v60 =	vunpack.i.u.bf16.f32 v18;
	v12 =	vmul.f32 v59, v13;
	[tilespmem:v5+s14+$0x0] =	vst.idx.add.f32.msk $0xffff, v9  }
0x4a: {  	v61 =	vunpack.i.u.bf16.f32 v19;
	v7 =	vmul.f32 v60, v11;
	[tilespmem:v4+s14+$0x0] =	vst.idx.add.f32.msk $0xffff, v8  }
0x4b: {  	v63 =	vunpack.i.u.bf16.f32 v10;
	v62 =	vmul.f32 v61, v15;
	[tilespmem:v3+s14+$0x0] =	vst.idx.add.f32.msk $0xffff, v12  }
0x4c: {  	v5 =	vmul.f32 v63, v17;
	v3 =	vunpack.i.u.bf16.f32 v21;
	[tilespmem:v2+s14+$0x0] =	vst.idx.add.f32.msk $0xffff, v7  }
0x4d: {  	v2 =	vmul.f32 v3, v23;
	[tilespmem:v1+s14+$0x0] =	vst.idx.add.f32.msk $0xffff, v62;
	v1 =	vunpack.i.u.bf16.f32 v20  }
0x4e: {  	[tilespmem:v27+s14+$0x0] =	vst.idx.add.f32.msk $0xffff, v5;
	v1 =	vmul.f32 v1, v25  }
0x4f: {  	s23 =	simm.s32 $0x200;
	[tilespmem:v6+s14+$0x0] =	vst.idx.add.f32.msk $0xffff, v2  }
.LBB2_3:
0x50: {  	s24 =	sshra.s32 s23, $0x2;
	p0 =	sne.s32 s23, $0x3E00;
	s23 =	sadd.s32 $0x200, s23;
	[tilespmem:v0+s14+$0x0] =	vst.idx.add.f32.msk $0xffff, v1  }
0x51: {  	v0 =	vld [tilespmem:s24+$0xC050]  }
0x52: {  	v1 =	vld [tilespmem:s24+$0xC040]  }
0x53: {  	v2 =	vld [tilespmem:s24+$0xC030]  }
0x54: {  	v3 =	vld [tilespmem:s24+$0xC020]  }
0x55: {  	v4 =	vld [tilespmem:s24+$0xC010]  }
0x56: {  	v5 =	vld [tilespmem:s24+$0xC000]  }
0x57: {  	v6 =	vld [tilespmem:s24+$0xC060]  }
0x58: {  	v7 =	vld [tilespmem:s24+$0xC070]  }
0x59: {  	v8 =	vld [tilespmem:s24+$0xD010]  }
0x5a: {  	v10 =	vand.u32 $0xFFFF, v0;
	v9 =	vld [tilespmem:s24+$0xD000]  }
0x5b: {  	v11 =	vld [tilespmem:s24+$0xD030];
	v12 =	vand.u32 $0xFFFF, v5  }
0x5c: {  	v14 =	vand.u32 $0xFFFF, v4;
	v13 =	vld [tilespmem:s24+$0xD020]  }
0x5d: {  	v16 =	vand.u32 $0xFFFF, v3;
	v15 =	vld [tilespmem:s24+$0xD040]  }
0x5e: {  	v18 =	vand.u32 $0xFFFF, v2;
	v17 =	vld [tilespmem:s24+$0xD050]  }
0x5f: {  	v19 =	vand.u32 $0xFFFF, v1;
	v10 =	vld.idx.msk [tilespmem:v10+s3+$0x0], $0xffff  }
0x60: {  	v20 =	vand.u32 $0xFFFF, v7;
	v12 =	vld.idx.msk [tilespmem:v12+s3+$0x0], $0xffff  }
0x61: {  	v21 =	vand.u32 $0xFFFF, v6;
	v14 =	vld.idx.msk [tilespmem:v14+s3+$0x0], $0xffff  }
0x62: {  	v16 =	vld.idx.msk [tilespmem:v16+s3+$0x0], $0xffff  }
0x63: {  	v22 =	vshrl.u32 v0, $0x10;
	v1 =	vshrl.u32 v1, $0x10;
	v2 =	vshrl.u32 v2, $0x10;
	v18 =	vld.idx.msk [tilespmem:v18+s3+$0x0], $0xffff  }
0x64: {  	v5 =	vshrl.u32 v5, $0x10;
	v6 =	vshrl.u32 v6, $0x10;
	v0 =	vshrl.u32 v7, $0x10;
	v7 =	vld.idx.msk [tilespmem:v19+s3+$0x0], $0xffff  }
0x65: {  	v3 =	vshrl.u32 v3, $0x10;
	v4 =	vshrl.u32 v4, $0x10;
	v19 =	vld.idx.msk [tilespmem:v20+s3+$0x0], $0xffff;
	v20 =	vunpack.i.l.bf16.f32 v10  }
0x66: {  	v23 =	vunpack.i.u.bf16.f32 v12;
	v12 =	vunpack.i.l.bf16.f32 v12;
	v21 =	vld.idx.msk [tilespmem:v21+s3+$0x0], $0xffff;
	v20 =	vmul.f32 v20, v17  }
0x67: {  	v25 =	vunpack.i.u.bf16.f32 v14;
	v14 =	vunpack.i.l.bf16.f32 v14;
	v12 =	vmul.f32 v12, v9;
	v24 =	vld [tilespmem:s24+$0xD060]  }
0x68: {  	v9 =	vmul.f32 v23, v9;
	v27 =	vunpack.i.l.bf16.f32 v16;
	v14 =	vmul.f32 v14, v8;
	v26 =	vld [tilespmem:s24+$0xD070]  }
0x69: {  	v16 =	vunpack.i.u.bf16.f32 v16;
	v23 =	vunpack.i.l.bf16.f32 v18;
	[tilespmem:v5+s13+$0x0] =	vst.idx.add.f32.msk $0xffff, v12;
	v12 =	vmul.f32 v27, v13  }
0x6a: {  	v8 =	vmul.f32 v25, v8;
	v27 =	vunpack.i.l.bf16.f32 v7;
	[tilespmem:v4+s13+$0x0] =	vst.idx.add.f32.msk $0xffff, v14;
	v14 =	vmul.f32 v23, v11  }
0x6b: {  	v18 =	vunpack.i.u.bf16.f32 v18;
	v13 =	vmul.f32 v16, v13;
	[tilespmem:v3+s13+$0x0] =	vst.idx.add.f32.msk $0xffff, v12;
	v12 =	vmul.f32 v27, v15  }
0x6c: {  	v7 =	vunpack.i.u.bf16.f32 v7;
	v11 =	vmul.f32 v18, v11;
	v16 =	vunpack.i.l.bf16.f32 v21;
	[tilespmem:v2+s13+$0x0] =	vst.idx.add.f32.msk $0xffff, v14  }
0x6d: {  	v7 =	vmul.f32 v7, v15;
	v14 =	vunpack.i.l.bf16.f32 v19;
	[tilespmem:v1+s13+$0x0] =	vst.idx.add.f32.msk $0xffff, v12;
	v12 =	vmul.f32 v16, v24  }
0x6e: {  	v15 =	vunpack.i.u.bf16.f32 v21;
	v16 =	vunpack.i.u.bf16.f32 v19;
	v14 =	vmul.f32 v14, v26;
	[tilespmem:v22+s13+$0x0] =	vst.idx.add.f32.msk $0xffff, v20  }
0x6f: {  	v10 =	vunpack.i.u.bf16.f32 v10;
	[tilespmem:v6+s13+$0x0] =	vst.idx.add.f32.msk $0xffff, v12;
	v12 =	vmul.f32 v15, v24  }
0x70: {  	v10 =	vmul.f32 v10, v17;
	[tilespmem:v0+s13+$0x0] =	vst.idx.add.f32.msk $0xffff, v14  }
0x71: {  	[tilespmem:v5+s14+$0x0] =	vst.idx.add.f32.msk $0xffff, v9  }
0x72: {  	[tilespmem:v4+s14+$0x0] =	vst.idx.add.f32.msk $0xffff, v8  }
.Ltmp0:
0x73: {  	[tilespmem:v3+s14+$0x0] =	vst.idx.add.f32.msk $0xffff, v13;
	(pc) =	sbr.rel @p0 .LBB2_3-.Ltmp0, $4  }
0x74: {  	[tilespmem:v2+s14+$0x0] =	vst.idx.add.f32.msk $0xffff, v11  }
0x75: {  	[tilespmem:v1+s14+$0x0] =	vst.idx.add.f32.msk $0xffff, v7  }
0x76: {  	v1 =	vmul.f32 v16, v26;
	[tilespmem:v22+s14+$0x0] =	vst.idx.add.f32.msk $0xffff, v10  }
0x77: {  	[tilespmem:v6+s14+$0x0] =	vst.idx.add.f32.msk $0xffff, v12  }
0x78: {  	s23 =	sshll.u32 s22, $0x1  }
0x79: {  	s24 =	smin.u32 s23, $0x3F  }
0x7a: {  	s24 =	sshll.u32 s24, $0x9  }
0x7b: {  	s24 =	sadd.s32 $0x400, s24  }
0x7c: {  	[tilespmem:v0+s14+$0x0] =	vst.idx.add.f32.msk $0xffff, v1;
	s25 =	sadd.s32 s4, s24  }
0x7d: {  	[tilespmem:s15], [sflag:$0x1] =	stream.linear.gather [hbm4b:s25+s26], $0x1000, $0x38;
	[tilespmem:$0x10000] =	vst v63  }
0x7e: {  	s24 =	sadd.s32 s5, s24  }
0x7f: {  	[tilespmem:s16], [sflag:$0x1] =	stream.linear.gather [hbm4b:s24+s26], $0x1000, $0x38;
	[tilespmem:$0x10000] =	vst v63  }
0x80: {  	_ =	swait.ge [sflag:s20], $0x1000  }
0x81: {  	[sflag:s20] =	ssyncset.done $0x0  }
0x82: {  	[sflag:s20] =	ssyncadd.s32 $0xFFFFF000  }
0x83: {  	_ =	swait.ge [sflag:s20], $0x1000  }
0x84: {  	[sflag:s20] =	ssyncset.done $0x0  }
0x85: {  	s31 =	simm.s32 $0x0;
	[sflag:s20] =	ssyncadd.s32 $0xFFFFF000  }
0x86: {  	v0 =	vld [tilespmem:s31+$0xE050]  }
0x87: {  	v1 =	vld [tilespmem:s31+$0xE040]  }
0x88: {  	v2 =	vld [tilespmem:s31+$0xE030]  }
0x89: {  	v3 =	vld [tilespmem:s31+$0xE020]  }
0x8a: {  	v4 =	vld [tilespmem:s31+$0xE010]  }
0x8b: {  	v5 =	vld [tilespmem:s31+$0xE000]  }
0x8c: {  	v6 =	vld [tilespmem:s31+$0xE060]  }
0x8d: {  	v7 =	vld [tilespmem:s31+$0xE070]  }
0x8e: {  	v8 =	vld [tilespmem:s31+$0xF010]  }
0x8f: {  	v9 =	vld [tilespmem:s31+$0xF000]  }
0x90: {  	v11 =	vld [tilespmem:s31+$0xF030]  }
0x91: {  	v13 =	vld [tilespmem:s31+$0xF020];
	v12 =	vand.u32 $0xFFFF, v5  }
0x92: {  	v15 =	vld [tilespmem:s31+$0xF040];
	v14 =	vand.u32 $0xFFFF, v4  }
0x93: {  	v17 =	vld [tilespmem:s31+$0xF050];
	v16 =	vand.u32 $0xFFFF, v3  }
0x94: {  	v23 =	vld [tilespmem:s31+$0xF060];
	v18 =	vand.u32 $0xFFFF, v2  }
0x95: {  	v25 =	vld [tilespmem:s31+$0xF070];
	v19 =	vand.u32 $0xFFFF, v1  }
0x96: {  	v10 =	vand.u32 $0xFFFF, v0;
	v12 =	vld.idx.msk [tilespmem:v12+s3+$0x0], $0xffff  }
0x97: {  	v21 =	vand.u32 $0xFFFF, v6;
	v14 =	vld.idx.msk [tilespmem:v14+s3+$0x0], $0xffff  }
0x98: {  	v20 =	vand.u32 $0xFFFF, v7;
	v16 =	vld.idx.msk [tilespmem:v16+s3+$0x0], $0xffff  }
0x99: {  	v5 =	vshrl.u32 v5, $0x10;
	v18 =	vld.idx.msk [tilespmem:v18+s3+$0x0], $0xffff  }
0x9a: {  	v4 =	vshrl.u32 v4, $0x10;
	v19 =	vld.idx.msk [tilespmem:v19+s3+$0x0], $0xffff  }
0x9b: {  	v3 =	vshrl.u32 v3, $0x10;
	v10 =	vld.idx.msk [tilespmem:v10+s3+$0x0], $0xffff;
	v22 =	vunpack.i.l.bf16.f32 v12  }
0x9c: {  	v2 =	vshrl.u32 v2, $0x10;
	v21 =	vld.idx.msk [tilespmem:v21+s3+$0x0], $0xffff;
	v24 =	vunpack.i.l.bf16.f32 v14;
	v22 =	vmul.f32 v22, v9  }
0x9d: {  	v1 =	vshrl.u32 v1, $0x10;
	v20 =	vld.idx.msk [tilespmem:v20+s3+$0x0], $0xffff;
	v26 =	vunpack.i.l.bf16.f32 v16;
	v24 =	vmul.f32 v24, v8  }
0x9e: {  	v27 =	vshrl.u32 v0, $0x10;
	v0 =	vunpack.i.l.bf16.f32 v18;
	v50 =	vmul.f32 v26, v13;
	[tilespmem:v5+s13+$0x0] =	vst.idx.add.f32.msk $0xffff, v22  }
0x9f: {  	v6 =	vshrl.u32 v6, $0x10;
	v51 =	vunpack.i.l.bf16.f32 v19;
	v52 =	vmul.f32 v0, v11;
	[tilespmem:v4+s13+$0x0] =	vst.idx.add.f32.msk $0xffff, v24  }
0xa0: {  	v53 =	vunpack.i.l.bf16.f32 v10;
	v0 =	vshrl.u32 v7, $0x10;
	v54 =	vmul.f32 v51, v15;
	[tilespmem:v3+s13+$0x0] =	vst.idx.add.f32.msk $0xffff, v50  }
0xa1: {  	v55 =	vunpack.i.l.bf16.f32 v21;
	v7 =	vmul.f32 v53, v17;
	[tilespmem:v2+s13+$0x0] =	vst.idx.add.f32.msk $0xffff, v52  }
0xa2: {  	v56 =	vunpack.i.l.bf16.f32 v20;
	v57 =	vmul.f32 v55, v23;
	[tilespmem:v1+s13+$0x0] =	vst.idx.add.f32.msk $0xffff, v54  }
0xa3: {  	v12 =	vunpack.i.u.bf16.f32 v12;
	v58 =	vmul.f32 v56, v25;
	[tilespmem:v27+s13+$0x0] =	vst.idx.add.f32.msk $0xffff, v7  }
0xa4: {  	v14 =	vunpack.i.u.bf16.f32 v14;
	v9 =	vmul.f32 v12, v9;
	[tilespmem:v6+s13+$0x0] =	vst.idx.add.f32.msk $0xffff, v57  }
0xa5: {  	v59 =	vunpack.i.u.bf16.f32 v16;
	v8 =	vmul.f32 v14, v8;
	[tilespmem:v0+s13+$0x0] =	vst.idx.add.f32.msk $0xffff, v58  }
0xa6: {  	v60 =	vunpack.i.u.bf16.f32 v18;
	v12 =	vmul.f32 v59, v13;
	[tilespmem:v5+s14+$0x0] =	vst.idx.add.f32.msk $0xffff, v9  }
0xa7: {  	v61 =	vunpack.i.u.bf16.f32 v19;
	v7 =	vmul.f32 v60, v11;
	[tilespmem:v4+s14+$0x0] =	vst.idx.add.f32.msk $0xffff, v8  }
0xa8: {  	v63 =	vunpack.i.u.bf16.f32 v10;
	v62 =	vmul.f32 v61, v15;
	[tilespmem:v3+s14+$0x0] =	vst.idx.add.f32.msk $0xffff, v12  }
0xa9: {  	v5 =	vmul.f32 v63, v17;
	v3 =	vunpack.i.u.bf16.f32 v21;
	[tilespmem:v2+s14+$0x0] =	vst.idx.add.f32.msk $0xffff, v7  }
0xaa: {  	v2 =	vmul.f32 v3, v23;
	[tilespmem:v1+s14+$0x0] =	vst.idx.add.f32.msk $0xffff, v62;
	v1 =	vunpack.i.u.bf16.f32 v20  }
0xab: {  	[tilespmem:v27+s14+$0x0] =	vst.idx.add.f32.msk $0xffff, v5;
	v1 =	vmul.f32 v1, v25  }
0xac: {  	s24 =	simm.s32 $0x200;
	[tilespmem:v6+s14+$0x0] =	vst.idx.add.f32.msk $0xffff, v2  }
.LBB2_5:
0xad: {  	s25 =	sshra.s32 s24, $0x2;
	p0 =	sne.s32 s24, $0x3E00;
	s24 =	sadd.s32 $0x200, s24;
	[tilespmem:v0+s14+$0x0] =	vst.idx.add.f32.msk $0xffff, v1  }
0xae: {  	v0 =	vld [tilespmem:s25+$0xE050]  }
0xaf: {  	v1 =	vld [tilespmem:s25+$0xE040]  }
0xb0: {  	v2 =	vld [tilespmem:s25+$0xE030]  }
0xb1: {  	v3 =	vld [tilespmem:s25+$0xE020]  }
0xb2: {  	v4 =	vld [tilespmem:s25+$0xE010]  }
0xb3: {  	v5 =	vld [tilespmem:s25+$0xE000]  }
0xb4: {  	v6 =	vld [tilespmem:s25+$0xE060]  }
0xb5: {  	v7 =	vld [tilespmem:s25+$0xE070]  }
0xb6: {  	v8 =	vld [tilespmem:s25+$0xF010]  }
0xb7: {  	v10 =	vand.u32 $0xFFFF, v0;
	v9 =	vld [tilespmem:s25+$0xF000]  }
0xb8: {  	v11 =	vld [tilespmem:s25+$0xF030];
	v12 =	vand.u32 $0xFFFF, v5  }
0xb9: {  	v14 =	vand.u32 $0xFFFF, v4;
	v13 =	vld [tilespmem:s25+$0xF020]  }
0xba: {  	v16 =	vand.u32 $0xFFFF, v3;
	v15 =	vld [tilespmem:s25+$0xF040]  }
0xbb: {  	v18 =	vand.u32 $0xFFFF, v2;
	v17 =	vld [tilespmem:s25+$0xF050]  }
0xbc: {  	v19 =	vand.u32 $0xFFFF, v1;
	v10 =	vld.idx.msk [tilespmem:v10+s3+$0x0], $0xffff  }
0xbd: {  	v20 =	vand.u32 $0xFFFF, v7;
	v12 =	vld.idx.msk [tilespmem:v12+s3+$0x0], $0xffff  }
0xbe: {  	v21 =	vand.u32 $0xFFFF, v6;
	v14 =	vld.idx.msk [tilespmem:v14+s3+$0x0], $0xffff  }
0xbf: {  	v16 =	vld.idx.msk [tilespmem:v16+s3+$0x0], $0xffff  }
0xc0: {  	v22 =	vshrl.u32 v0, $0x10;
	v1 =	vshrl.u32 v1, $0x10;
	v2 =	vshrl.u32 v2, $0x10;
	v18 =	vld.idx.msk [tilespmem:v18+s3+$0x0], $0xffff  }
0xc1: {  	v5 =	vshrl.u32 v5, $0x10;
	v6 =	vshrl.u32 v6, $0x10;
	v0 =	vshrl.u32 v7, $0x10;
	v7 =	vld.idx.msk [tilespmem:v19+s3+$0x0], $0xffff  }
0xc2: {  	v3 =	vshrl.u32 v3, $0x10;
	v4 =	vshrl.u32 v4, $0x10;
	v19 =	vld.idx.msk [tilespmem:v20+s3+$0x0], $0xffff;
	v20 =	vunpack.i.l.bf16.f32 v10  }
0xc3: {  	v23 =	vunpack.i.u.bf16.f32 v12;
	v12 =	vunpack.i.l.bf16.f32 v12;
	v21 =	vld.idx.msk [tilespmem:v21+s3+$0x0], $0xffff;
	v20 =	vmul.f32 v20, v17  }
0xc4: {  	v25 =	vunpack.i.u.bf16.f32 v14;
	v14 =	vunpack.i.l.bf16.f32 v14;
	v12 =	vmul.f32 v12, v9;
	v24 =	vld [tilespmem:s25+$0xF060]  }
0xc5: {  	v9 =	vmul.f32 v23, v9;
	v27 =	vunpack.i.l.bf16.f32 v16;
	v14 =	vmul.f32 v14, v8;
	v26 =	vld [tilespmem:s25+$0xF070]  }
0xc6: {  	v16 =	vunpack.i.u.bf16.f32 v16;
	v23 =	vunpack.i.l.bf16.f32 v18;
	[tilespmem:v5+s13+$0x0] =	vst.idx.add.f32.msk $0xffff, v12;
	v12 =	vmul.f32 v27, v13  }
0xc7: {  	v8 =	vmul.f32 v25, v8;
	v27 =	vunpack.i.l.bf16.f32 v7;
	[tilespmem:v4+s13+$0x0] =	vst.idx.add.f32.msk $0xffff, v14;
	v14 =	vmul.f32 v23, v11  }
0xc8: {  	v18 =	vunpack.i.u.bf16.f32 v18;
	v13 =	vmul.f32 v16, v13;
	[tilespmem:v3+s13+$0x0] =	vst.idx.add.f32.msk $0xffff, v12;
	v12 =	vmul.f32 v27, v15  }
0xc9: {  	v7 =	vunpack.i.u.bf16.f32 v7;
	v11 =	vmul.f32 v18, v11;
	v16 =	vunpack.i.l.bf16.f32 v21;
	[tilespmem:v2+s13+$0x0] =	vst.idx.add.f32.msk $0xffff, v14  }
0xca: {  	v7 =	vmul.f32 v7, v15;
	v14 =	vunpack.i.l.bf16.f32 v19;
	[tilespmem:v1+s13+$0x0] =	vst.idx.add.f32.msk $0xffff, v12;
	v12 =	vmul.f32 v16, v24  }
0xcb: {  	v15 =	vunpack.i.u.bf16.f32 v21;
	v16 =	vunpack.i.u.bf16.f32 v19;
	v14 =	vmul.f32 v14, v26;
	[tilespmem:v22+s13+$0x0] =	vst.idx.add.f32.msk $0xffff, v20  }
0xcc: {  	v10 =	vunpack.i.u.bf16.f32 v10;
	[tilespmem:v6+s13+$0x0] =	vst.idx.add.f32.msk $0xffff, v12;
	v12 =	vmul.f32 v15, v24  }
0xcd: {  	v10 =	vmul.f32 v10, v17;
	[tilespmem:v0+s13+$0x0] =	vst.idx.add.f32.msk $0xffff, v14  }
0xce: {  	[tilespmem:v5+s14+$0x0] =	vst.idx.add.f32.msk $0xffff, v9  }
0xcf: {  	[tilespmem:v4+s14+$0x0] =	vst.idx.add.f32.msk $0xffff, v8  }
.Ltmp1:
0xd0: {  	[tilespmem:v3+s14+$0x0] =	vst.idx.add.f32.msk $0xffff, v13;
	(pc) =	sbr.rel @p0 .LBB2_5-.Ltmp1, $4  }
0xd1: {  	[tilespmem:v2+s14+$0x0] =	vst.idx.add.f32.msk $0xffff, v11  }
0xd2: {  	[tilespmem:v1+s14+$0x0] =	vst.idx.add.f32.msk $0xffff, v7  }
0xd3: {  	v1 =	vmul.f32 v16, v26;
	[tilespmem:v22+s14+$0x0] =	vst.idx.add.f32.msk $0xffff, v10  }
0xd4: {  	[tilespmem:v6+s14+$0x0] =	vst.idx.add.f32.msk $0xffff, v12  }
0xd5: {  	_ = 	snop  }
0xd6: {  	s23 =	smin.u32 s23, $0x3E;
	s22 =	sadd.s32 $0x1, s22  }
0xd7: {  	s23 =	sshll.u32 s23, $0x9;
	p0 =	sne.s32 s22, $0x21  }
.Ltmp2:
0xd8: {  	s23 =	sadd.s32 $0x600, s23;
	(pc) =	sbr.rel @p0 .LBB2_2-.Ltmp2, $4  }
0xd9: {  	[tilespmem:v0+s14+$0x0] =	vst.idx.add.f32.msk $0xffff, v1;
	s24 =	sadd.s32 s4, s23  }
0xda: {  	[tilespmem:s17], [sflag:$0x2] =	stream.linear.gather [hbm4b:s24+s3], $0x1000, $0x38;
	[tilespmem:$0x10000] =	vst v63  }
0xdb: {  	s23 =	sadd.s32 s5, s23  }
0xdc: {  	[tilespmem:s18], [sflag:$0x2] =	stream.linear.gather [hbm4b:s23+s3], $0x1000, $0x38;
	[tilespmem:$0x10000] =	vst v63  }
0xdd: {  	_ =	swait.ge [sflag:s19], $0x1000  }
0xde: {  	[sflag:s19] =	ssyncset.done $0x0  }
0xdf: {  	[sflag:s19] =	ssyncadd.s32 $0xFFFFF000  }
0xe0: {  	_ =	swait.ge [sflag:s19], $0x1000  }
0xe1: {  	[sflag:s19] =	ssyncset.done $0x0  }
0xe2: {  	[sflag:s19] =	ssyncadd.s32 $0xFFFFF000  }
0xe3: {  	_ =	swait.ge [sflag:s20], $0x1000  }
0xe4: {  	[sflag:s20] =	ssyncset.done $0x0  }
0xe5: {  	[sflag:s20] =	ssyncadd.s32 $0xFFFFF000  }
0xe6: {  	_ =	swait.ge [sflag:s20], $0x1000  }
0xe7: {  	[sflag:s20] =	ssyncset.done $0x0  }
0xe8: {  	[sflag:s20] =	ssyncadd.s32 $0xFFFFF000  }
0xe9: {  	[hbm4b:s9+s3] =	stream.linear.scatter [tilespmem:s13], [sflag:$0x3], $0x4000, $0x38;
	[tilespmem:$0x10000] =	vst v63  }
0xea: {  	s21 =	sadd.s32 $0x1, s21;
	_ =	swait.ge [sflag:s12], $0x4000  }
0xeb: {  	p0 =	sne.s32 s21, s11;
	[sflag:s12] =	ssyncset.done $0x0  }
.Ltmp3:
0xec: {  	[sflag:s12] =	ssyncadd.s32 $0xFFFFC000;
	(pc) =	sbr.rel @p0 .LBB2_1-.Ltmp3, $4  }
0xed: {  	[hbm4b:s10+s3] =	stream.linear.scatter [tilespmem:s14], [sflag:$0x3], $0x4000, $0x38;
	[tilespmem:$0x10000] =	vst v63  }
0xee: {  	_ =	swait.ge [sflag:s12], $0x4000  }
0xef: {  	[sflag:s12] =	ssyncset.done $0x0  }
0xf0: {  	[sflag:s12] =	ssyncadd.s32 $0xFFFFC000  }
0xf1: {  	_ =	sfence.sel $0x180000  }
0xf2: {  	[bflag:$0x0] =	sbarrier.arrive $0xFFFF  }
0xf3: {  	p0 =	sne.s32 s2, $0x0;
	_ =	strace $0x90000047  }
0xf4: {  	s0 =	sadd.s32 @!p0 $0x100000, s0;
	[bflag:$0x2] =	sbarrier.arrive $0xFFFF  }
0xf5: {  	[sflag:s0] =	ssyncadd.tile.s32 @!p0 $0x1;
	_ =	shalt  }
.Lfunc_end2:
_tile_overlayer_lowered:
.L_overlay_start_2:
0xf6: {  	(tag) =	ssettag $0x2  }
0xf7: {  	s0 =	rddreg [dreg:$0x0];
	s2 =	stileid.u32  }
0xf8: {  	s1 =	rddreg [dreg:$0x1];
	p0 =	sne.s32 s2, $0x0  }
0xf9: {  	s3 =	rddreg [dreg:$0x2];
	[bflag:$0x3] =	sbarrier.arrive $0xFFFF;
	s2 =	simm.s32 @!p0 $0x1C03  }
0xfa: {  	[timem:s3], [sflag:s2] =	dma.local @!p0 [hbm:s0], s1  }
0xfb: {  	s0 =	simm.s32 @!p0 $0x3  }
0xfc: {  	_ =	swait.ge @!p0 [sflag:s0], s1  }
0xfd: {  	s1 =	ssub.s32 @!p0 $0x0, s1;
	[sflag:s0] =	ssyncset.done @!p0 $0x0  }
0xfe: {  	[sflag:s0] =	ssyncadd.s32 @!p0 s1  }
0xff: {  	[bflag:$0x3] =	sbarrier.arrive $0xFFFF  }
0x100: {  	_ =	shalt  }

</sc_bundles>
